<compile_context>
chip_gen: v7x
topology: tpu7x:2x2x1
jax: 0.10.2.dev20260603
libtpu: 0.0.44.dev20260713+nightly
codegen_flags: <defaults>
</compile_context>

<pallas_src>
import functools
import math

import jax
import jax.numpy as jnp
from jax import lax
from jax.experimental import pallas as pl
from jax.experimental.pallas import tpu as pltpu
from jax.experimental.pallas import tpu_sc as plsc

B = 8192
N = 100000
D = 256
H = 2
K = 16
A = 64

NC = 2
NS = 16
NW = NC * NS
CH = 128

NSLICES = 1
BS = B // NSLICES
NBUF = 2


def _sc_gather_body(rpw, idx_hbm, table_hbm, out_hbm, idx_v, buf, gsem, osem):
    nch = rpw // CH
    wid = lax.axis_index("s") * NC + lax.axis_index("c")
    base = wid * rpw
    pltpu.sync_copy(idx_hbm.at[pl.ds(base, rpw)], idx_v)

    pltpu.async_copy(table_hbm.at[idx_v.at[pl.ds(0, CH)]], buf.at[0], gsem)

    def body(c, _):
        nxt = c + 1

        @pl.when(nxt < nch)
        def _prefetch():
            pltpu.async_copy(
                table_hbm.at[idx_v.at[pl.ds(nxt * CH, CH)]],
                buf.at[lax.rem(nxt, 2)], gsem)

        pltpu.make_async_copy(
            table_hbm.at[idx_v.at[pl.ds(c * CH, CH)]],
            buf.at[lax.rem(c, 2)], gsem).wait()
        pltpu.async_copy(
            buf.at[lax.rem(c, 2)], out_hbm.at[pl.ds(base + c * CH, CH)],
            osem).wait()
        return 0

    lax.fori_loop(0, nch, body, 0, unroll=2)


@functools.cache
def _sc_gather(nrows):
    rpw = nrows // NW
    return pl.kernel(
        functools.partial(_sc_gather_body, rpw),
        out_type=jax.ShapeDtypeStruct((nrows, D), jnp.float32),
        mesh=plsc.VectorSubcoreMesh(core_axis_name="c", subcore_axis_name="s"),
        scratch_types=[
            pltpu.VMEM((rpw,), jnp.int32),
            pltpu.VMEM((NBUF, CH, D), jnp.float32),
            pltpu.SemaphoreType.DMA,
            pltpu.SemaphoreType.DMA,
        ],
    )


C = 1024


def _attn_body(cm_ref, rows_ref, nw_ref, wqh_ref, wkht_ref, wo_ref, out_ref):
    cm = cm_ref[...]
    wq = wqh_ref[...]
    wkt = wkht_ref[...]
    q0 = jnp.dot(cm, wq[0], preferred_element_type=jnp.float32)
    q1 = jnp.dot(cm, wq[1], preferred_element_type=jnp.float32)
    scale = 1.0 / math.sqrt(A)
    qt0 = jnp.dot(q0, wkt[0], preferred_element_type=jnp.float32) * scale
    qt1 = jnp.dot(q1, wkt[1], preferred_element_type=jnp.float32) * scale

    s0_parts, s1_parts = [], []
    for k in range(K):
        r = rows_ref[k]
        s0_parts.append(jnp.sum(r * qt0, axis=-1, keepdims=True))
        s1_parts.append(jnp.sum(r * qt1, axis=-1, keepdims=True))
    s0 = jnp.concatenate(s0_parts, axis=1)
    s1 = jnp.concatenate(s1_parts, axis=1)

    nw = nw_ref[...]
    nsum = jnp.clip(jnp.sum(nw, axis=1, keepdims=True), 1e-9, None)
    bias = jnp.maximum(jnp.log(nw / nsum), -10.0)
    s0 = s0 + bias
    s1 = s1 + bias

    def _softmax(s):
        m = jnp.max(s, axis=1, keepdims=True)
        e = jnp.exp(s - m)
        return e / jnp.sum(e, axis=1, keepdims=True)

    wbar = 0.5 * (_softmax(s0) + _softmax(s1))
    ctx = rows_ref[0] * wbar[:, 0:1]
    for k in range(1, K):
        ctx = ctx + rows_ref[k] * wbar[:, k:k + 1]
    out_ref[...] = cm + jnp.dot(ctx, wo_ref[...], preferred_element_type=jnp.float32)


def _tc_attn(cm, rows, nw, wqh, wkht, wo):
    nb = cm.shape[0]
    return pl.pallas_call(
        _attn_body,
        grid=(nb // C,),
        in_specs=[
            pl.BlockSpec((C, D), lambda i: (i, 0)),
            pl.BlockSpec((K, C, D), lambda i: (0, i, 0)),
            pl.BlockSpec((C, K), lambda i: (i, 0)),
            pl.BlockSpec((H, D, A), lambda i: (0, 0, 0)),
            pl.BlockSpec((H, A, D), lambda i: (0, 0, 0)),
            pl.BlockSpec((D, D), lambda i: (0, 0)),
        ],
        out_specs=pl.BlockSpec((C, D), lambda i: (i, 0)),
        out_shape=jax.ShapeDtypeStruct((nb, D), jnp.float32),
        compiler_params=pltpu.CompilerParams(
            vmem_limit_bytes=100 * 1024 * 1024),
    )(cm, rows, nw, wqh, wkht, wo)


def kernel(center_emb, all_emb, node_indices, neighbor_idx, neighbor_w, Wq, Wk, Wo):
    del node_indices
    wqh = Wq.reshape(D, H, A).transpose(1, 0, 2)
    wkht = Wk.reshape(D, H, A).transpose(1, 2, 0)
    gather = _sc_gather(K * BS)
    idx_t = neighbor_idx.T.reshape(K, NSLICES, BS)
    rows = [gather(idx_t[:, s].reshape(-1), all_emb).reshape(K, BS, D)
            for s in range(NSLICES)]
    outs = []
    for s in range(NSLICES):
        sl = slice(s * BS, (s + 1) * BS)
        outs.append(_tc_attn(center_emb[sl], rows[s], neighbor_w[sl],
                             wqh, wkht, Wo))
    return outs[0] if NSLICES == 1 else jnp.concatenate(outs, axis=0)

# --- scband reference (transcript-rebuilt; emitter-appended) ---
"""Pipeline reference for scband-neighborhood-attention-module-6923487282208 (READ-ONLY COPY).

The authoritative reference and input builder live on the scoring server;
editing this copy changes nothing except your own understanding.
"""

import jax, jax.numpy as jnp
import numpy as np
import math

B = 8192
N = 100000
D = 256
H = 2
K = 16
ADIM = 64

def setup_inputs(seed: int = 0) -> dict:
    key = jax.random.key(seed)
    k1, k2, k3, k4, k5, k6, k7, k8 = jax.random.split(key, 8)
    center_emb = jax.random.normal(k1, (B, D), dtype=jnp.float32)
    all_emb = jax.random.normal(k2, (N, D), dtype=jnp.float32)
    node_indices = jax.random.randint(k3, (B,), 0, N, dtype=jnp.int32)
    neighbor_idx = jax.random.randint(k4, (B, K), 0, N, dtype=jnp.int32)
    neighbor_w = jax.random.uniform(k5, (B, K), dtype=jnp.float32)
    # learned params (torch nn.Linear weights, stored here as [in, out])
    Wq = jax.random.normal(k6, (D, H * ADIM), dtype=jnp.float32) / math.sqrt(D)
    Wk = jax.random.normal(k7, (D, H * ADIM), dtype=jnp.float32) / math.sqrt(D)
    Wo = jax.random.normal(k8, (D, D), dtype=jnp.float32) / math.sqrt(D)
    return {"center_emb": center_emb, "all_emb": all_emb, "node_indices": node_indices,
            "neighbor_idx": neighbor_idx, "neighbor_w": neighbor_w,
            "Wq": Wq, "Wk": Wk, "Wo": Wo}

def reference(center_emb, all_emb, node_indices, neighbor_idx, neighbor_w, Wq, Wk, Wo):
    # Gather neighbor embeddings (vectorized form of the adj_list loop)
    neighbor_embs = jnp.take(all_emb, neighbor_idx, axis=0)  # [B, K, D]
    # Normalize provided edge weights
    w_sum = jnp.clip(jnp.sum(neighbor_w, axis=-1, keepdims=True), 1e-9, None)
    nw = neighbor_w / w_sum  # [B, K]
    # Projections
    Q = (center_emb @ Wq).reshape(B, H, ADIM)            # [B, H, A]
    Kp = (neighbor_embs @ Wk).reshape(B, K, H, ADIM)     # [B, K, H, A]
    scale = math.sqrt(ADIM)
    attn_scores = jnp.einsum('bhd,bkhd->bhk', Q, Kp) / scale  # [B, H, K]
    weight_bias = jnp.maximum(jnp.log(nw), -10.0)[:, None, :]  # [B, 1, K]
    attn_scores = attn_scores + weight_bias
    attn_weights = jax.nn.softmax(attn_scores, axis=-1)
    weighted_val = jnp.einsum('bhk,bkd->bhd', attn_weights, neighbor_embs)  # [B, H, D]
    context = jnp.mean(weighted_val, axis=1)  # [B, D]
    context = context @ Wo
    return center_emb + context

if __name__ == "__main__":
    import jax
    _d = setup_inputs()
    print(jax.jit(kernel)(*tuple(_d.values())))

</pallas_src>

<mosaic_0001>
#map = affine_map<(d0, d1) -> (0)>
#map1 = affine_map<(d0, d1) -> (0, 0)>
module attributes {stable_mosaic.version = 14 : i64} {
  func.func @_sc_gather_body(%arg0: i32, %arg1: i32, %arg2: memref<131072xi32, #tpu.memory_space<hbm>>, %arg3: memref<100000x256xf32, #tpu.memory_space<hbm>>, %arg4: memref<131072x256xf32, #tpu.memory_space<hbm>>, %arg5: memref<4096xi32, #tpu.memory_space<vmem>>, %arg6: memref<2x128x256xf32, #tpu.memory_space<vmem>>, %arg7: memref<!tpu.dma_semaphore, #tpu.memory_space<semaphore_mem>>, %arg8: memref<!tpu.dma_semaphore, #tpu.memory_space<semaphore_mem>>) attributes {dimension_semantics = [#tpu.dimension_semantics<core_parallel>, #tpu.dimension_semantics<subcore_parallel>], iteration_bounds = array<i64: 2, 16>, scalar_prefetch = 0 : i64, scratch_operands = 4 : i64, tpu.core_type = #tpu.core_type<sc_vector_subcore>, window_params = [{transform_indices = #map}, {transform_indices = #map1}, {transform_indices = #map1}]} {
    %mul3A = arith.constant 2 : i32
    %mul3A_0 = arith.muli %arg1, %mul3A : i32
    %add3A = arith.addi %mul3A_0, %arg0 : i32
    %mul3A_1 = arith.constant 4096 : i32
    %mul3A_2 = arith.muli %add3A, %mul3A_1 : i32
    "tpu.region"() ({
      %run_scoped3A = tpu.sem_alloc : memref<!tpu.dma_semaphore, #tpu.memory_space<semaphore_mem>>
      %dma_start3A_18 = tpu.memref_slice %arg2[%mul3A_2] : memref<131072xi32, #tpu.memory_space<hbm>> -> memref<4096xi32, #tpu.memory_space<hbm>>
      %dma_start3A_19 = tpu.memref_slice %arg2[%mul3A_2] : memref<131072xi32, #tpu.memory_space<hbm>> -> memref<4096xi32, #tpu.memory_space<hbm>>
      tpu.enqueue_dma source(%dma_start3A_19 : memref<4096xi32, #tpu.memory_space<hbm>>) target(%arg5 : memref<4096xi32, #tpu.memory_space<vmem>>) target_semaphore(%run_scoped3A : memref<!tpu.dma_semaphore, #tpu.memory_space<semaphore_mem>>)
      %dma_wait3A = tpu.memref_slice %arg2[%mul3A_2] : memref<131072xi32, #tpu.memory_space<hbm>> -> memref<4096xi32, #tpu.memory_space<hbm>>
      %dma_wait3A_20 = tpu.memref_slice %arg2[%mul3A_2] : memref<131072xi32, #tpu.memory_space<hbm>> -> memref<4096xi32, #tpu.memory_space<hbm>>
      tpu.wait_dma2 semaphore(%run_scoped3A : memref<!tpu.dma_semaphore, #tpu.memory_space<semaphore_mem>>) src(%dma_wait3A_20 : memref<4096xi32, #tpu.memory_space<hbm>>) dst(%arg5 : memref<4096xi32, #tpu.memory_space<vmem>>)
      tpu.yield
    }) : () -> ()
    %dma_start3A = arith.constant 0 : i32
    %dma_start3A_3 = arith.constant 0 : i32
    %dma_start3A_4 = arith.constant 0 : i32
    %dma_start3A_5 = tpu.memref_slice %arg6[%dma_start3A, %dma_start3A_3, %dma_start3A_4] : memref<2x128x256xf32, #tpu.memory_space<vmem>> -> memref<1x128x256xf32, #tpu.memory_space<vmem>>
    %dma_start3A_6 = tpu.memref_squeeze %dma_start3A_5 : memref<1x128x256xf32, #tpu.memory_space<vmem>> -> memref<128x256xf32, #tpu.memory_space<vmem>>
    %dma_start3A_7 = arith.constant 0 : i32
    %dma_start3A_8 = tpu.memref_slice %arg5[%dma_start3A_7] : memref<4096xi32, #tpu.memory_space<vmem>> -> memref<128xi32, #tpu.memory_space<vmem>>
    %dma_start3A_9 = arith.constant 0 : i32
    %dma_start3A_10 = arith.constant 0 : i32
    %dma_start3A_11 = tpu.memref_slice %arg3[%dma_start3A_9, %dma_start3A_10] : memref<100000x256xf32, #tpu.memory_space<hbm>> -> memref<100000x256xf32, #tpu.memory_space<hbm>>
    tpu.enqueue_indirect_dma source(%dma_start3A_11 : memref<100000x256xf32, #tpu.memory_space<hbm>>) target(%dma_start3A_6 : memref<128x256xf32, #tpu.memory_space<vmem>>) offsets(%dma_start3A_8 : memref<128xi32, #tpu.memory_space<vmem>>) semaphore(%arg7 : memref<!tpu.dma_semaphore, #tpu.memory_space<semaphore_mem>>)
    %scan3A = arith.constant 0 : i32
    %scan3A_12 = arith.constant 0 : i32
    %scan3A_13 = arith.constant 32 : i32
    %scan3A_14 = arith.addi %scan3A_12, %scan3A_13 : i32
    %scan3A_15 = arith.constant 2 : i32
    %scan3A_16 = scf.for %scan3A_18 = %scan3A_12 to %scan3A_14 step %scan3A_15 iter_args(%scan3A_19 = %scan3A) -> (i32)  : i32 {
      %add3A_20 = arith.constant 1 : i32
      %add3A_21 = arith.addi %scan3A_18, %add3A_20 : i32
      %lt3A = arith.constant 32 : i32
      %lt3A_22 = arith.cmpi slt, %add3A_21, %lt3A : i32
      %convert_element_type3A = arith.extui %lt3A_22 : i1 to i32
      %cond3A = arith.constant 0 : i32
      %cond3A_23 = arith.cmpi ne, %convert_element_type3A, %cond3A : i32
      scf.if %cond3A_23 {
        %mul3A_115 = arith.constant 128 : i32
        %mul3A_116 = arith.muli %add3A_21, %mul3A_115 : i32
        %rem3A_117 = arith.constant 2 : i32
        %rem3A_118 = arith.remsi %add3A_21, %rem3A_117 : i32
        %dma_start3A_119 = arith.constant 0 : i32
        %dma_start3A_120 = arith.constant 0 : i32
        %dma_start3A_121 = tpu.memref_slice %arg6[%rem3A_118, %dma_start3A_119, %dma_start3A_120] : memref<2x128x256xf32, #tpu.memory_space<vmem>> -> memref<1x128x256xf32, #tpu.memory_space<vmem>>
        %dma_start3A_122 = tpu.memref_squeeze %dma_start3A_121 : memref<1x128x256xf32, #tpu.memory_space<vmem>> -> memref<128x256xf32, #tpu.memory_space<vmem>>
        %dma_start3A_123 = tpu.memref_slice %arg5[%mul3A_116] : memref<4096xi32, #tpu.memory_space<vmem>> -> memref<128xi32, #tpu.memory_space<vmem>>
        %dma_start3A_124 = arith.constant 0 : i32
        %dma_start3A_125 = arith.constant 0 : i32
        %dma_start3A_126 = tpu.memref_slice %arg3[%dma_start3A_124, %dma_start3A_125] : memref<100000x256xf32, #tpu.memory_space<hbm>> -> memref<100000x256xf32, #tpu.memory_space<hbm>>
        tpu.enqueue_indirect_dma source(%dma_start3A_126 : memref<100000x256xf32, #tpu.memory_space<hbm>>) target(%dma_start3A_122 : memref<128x256xf32, #tpu.memory_space<vmem>>) offsets(%dma_start3A_123 : memref<128xi32, #tpu.memory_space<vmem>>) semaphore(%arg7 : memref<!tpu.dma_semaphore, #tpu.memory_space<semaphore_mem>>)
      } else {
      }
      %mul3A_24 = arith.constant 128 : i32
      %mul3A_25 = arith.muli %scan3A_18, %mul3A_24 : i32
      %rem3A = arith.constant 2 : i32
      %rem3A_26 = arith.remsi %scan3A_18, %rem3A : i32
      %dma_wait3A = arith.constant 0 : i32
      %dma_wait3A_27 = arith.constant 0 : i32
      %dma_wait3A_28 = tpu.memref_slice %arg6[%rem3A_26, %dma_wait3A, %dma_wait3A_27] : memref<2x128x256xf32, #tpu.memory_space<vmem>> -> memref<1x128x256xf32, #tpu.memory_space<vmem>>
      %dma_wait3A_29 = tpu.memref_squeeze %dma_wait3A_28 : memref<1x128x256xf32, #tpu.memory_space<vmem>> -> memref<128x256xf32, #tpu.memory_space<vmem>>
      %dma_wait3A_30 = tpu.memref_slice %arg5[%mul3A_25] : memref<4096xi32, #tpu.memory_space<vmem>> -> memref<128xi32, #tpu.memory_space<vmem>>
      %dma_wait3A_31 = arith.constant 0 : i32
      %dma_wait3A_32 = arith.constant 0 : i32
      %dma_wait3A_33 = tpu.memref_slice %arg3[%dma_wait3A_31, %dma_wait3A_32] : memref<100000x256xf32, #tpu.memory_space<hbm>> -> memref<100000x256xf32, #tpu.memory_space<hbm>>
      tpu.wait_indirect_dma semaphore(%arg7 : memref<!tpu.dma_semaphore, #tpu.memory_space<semaphore_mem>>) src(%dma_wait3A_33 : memref<100000x256xf32, #tpu.memory_space<hbm>>) dst(%dma_wait3A_29 : memref<128x256xf32, #tpu.memory_space<vmem>>)
      %rem3A_34 = arith.constant 2 : i32
      %rem3A_35 = arith.remsi %scan3A_18, %rem3A_34 : i32
      %mul3A_36 = arith.constant 128 : i32
      %mul3A_37 = arith.muli %scan3A_18, %mul3A_36 : i32
      %add3A_38 = arith.addi %mul3A_2, %mul3A_37 : i32
      %dma_start3A_39 = arith.constant 0 : i32
      %dma_start3A_40 = arith.constant 0 : i32
      %dma_start3A_41 = tpu.memref_slice %arg6[%rem3A_35, %dma_start3A_39, %dma_start3A_40] : memref<2x128x256xf32, #tpu.memory_space<vmem>> -> memref<1x128x256xf32, #tpu.memory_space<vmem>>
      %dma_start3A_42 = tpu.memref_squeeze %dma_start3A_41 : memref<1x128x256xf32, #tpu.memory_space<vmem>> -> memref<128x256xf32, #tpu.memory_space<vmem>>
      %dma_start3A_43 = arith.constant 0 : i32
      %dma_start3A_44 = tpu.memref_slice %arg4[%add3A_38, %dma_start3A_43] : memref<131072x256xf32, #tpu.memory_space<hbm>> -> memref<128x256xf32, #tpu.memory_space<hbm>>
      %dma_start3A_45 = arith.constant 0 : i32
      %dma_start3A_46 = tpu.memref_slice %arg4[%add3A_38, %dma_start3A_45] : memref<131072x256xf32, #tpu.memory_space<hbm>> -> memref<128x256xf32, #tpu.memory_space<hbm>>
      %dma_start3A_47 = arith.constant 0 : i32
      %dma_start3A_48 = arith.constant 0 : i32
      %dma_start3A_49 = tpu.memref_slice %arg6[%rem3A_35, %dma_start3A_47, %dma_start3A_48] : memref<2x128x256xf32, #tpu.memory_space<vmem>> -> memref<1x128x256xf32, #tpu.memory_space<vmem>>
      %dma_start3A_50 = tpu.memref_squeeze %dma_start3A_49 : memref<1x128x256xf32, #tpu.memory_space<vmem>> -> memref<128x256xf32, #tpu.memory_space<vmem>>
      tpu.enqueue_dma source(%dma_start3A_50 : memref<128x256xf32, #tpu.memory_space<vmem>>) target(%dma_start3A_46 : memref<128x256xf32, #tpu.memory_space<hbm>>) target_semaphore(%arg8 : memref<!tpu.dma_semaphore, #tpu.memory_space<semaphore_mem>>)
      %dma_wait3A_51 = arith.constant 0 : i32
      %dma_wait3A_52 = arith.constant 0 : i32
      %dma_wait3A_53 = tpu.memref_slice %arg6[%rem3A_35, %dma_wait3A_51, %dma_wait3A_52] : memref<2x128x256xf32, #tpu.memory_space<vmem>> -> memref<1x128x256xf32, #tpu.memory_space<vmem>>
      %dma_wait3A_54 = tpu.memref_squeeze %dma_wait3A_53 : memref<1x128x256xf32, #tpu.memory_space<vmem>> -> memref<128x256xf32, #tpu.memory_space<vmem>>
      %dma_wait3A_55 = arith.constant 0 : i32
      %dma_wait3A_56 = tpu.memref_slice %arg4[%add3A_38, %dma_wait3A_55] : memref<131072x256xf32, #tpu.memory_space<hbm>> -> memref<128x256xf32, #tpu.memory_space<hbm>>
      %dma_wait3A_57 = arith.constant 0 : i32
      %dma_wait3A_58 = tpu.memref_slice %arg4[%add3A_38, %dma_wait3A_57] : memref<131072x256xf32, #tpu.memory_space<hbm>> -> memref<128x256xf32, #tpu.memory_space<hbm>>
      %dma_wait3A_59 = arith.constant 0 : i32
      %dma_wait3A_60 = arith.constant 0 : i32
      %dma_wait3A_61 = tpu.memref_slice %arg6[%rem3A_35, %dma_wait3A_59, %dma_wait3A_60] : memref<2x128x256xf32, #tpu.memory_space<vmem>> -> memref<1x128x256xf32, #tpu.memory_space<vmem>>
      %dma_wait3A_62 = tpu.memref_squeeze %dma_wait3A_61 : memref<1x128x256xf32, #tpu.memory_space<vmem>> -> memref<128x256xf32, #tpu.memory_space<vmem>>
      tpu.wait_dma2 semaphore(%arg8 : memref<!tpu.dma_semaphore, #tpu.memory_space<semaphore_mem>>) src(%dma_wait3A_62 : memref<128x256xf32, #tpu.memory_space<vmem>>) dst(%dma_wait3A_58 : memref<128x256xf32, #tpu.memory_space<hbm>>)
      %scan3A_63 = arith.constant 0 : i32
      %scan3A_64 = arith.constant 1 : i32
      %scan3A_65 = arith.addi %scan3A_18, %scan3A_64 : i32
      %add3A_66 = arith.constant 1 : i32
      %add3A_67 = arith.addi %scan3A_65, %add3A_66 : i32
      %lt3A_68 = arith.constant 32 : i32
      %lt3A_69 = arith.cmpi slt, %add3A_67, %lt3A_68 : i32
      %convert_element_type3A_70 = arith.extui %lt3A_69 : i1 to i32
      %cond3A_71 = arith.constant 0 : i32
      %cond3A_72 = arith.cmpi ne, %convert_element_type3A_70, %cond3A_71 : i32
      scf.if %cond3A_72 {
        %mul3A_115 = arith.constant 128 : i32
        %mul3A_116 = arith.muli %add3A_67, %mul3A_115 : i32
        %rem3A_117 = arith.constant 2 : i32
        %rem3A_118 = arith.remsi %add3A_67, %rem3A_117 : i32
        %dma_start3A_119 = arith.constant 0 : i32
        %dma_start3A_120 = arith.constant 0 : i32
        %dma_start3A_121 = tpu.memref_slice %arg6[%rem3A_118, %dma_start3A_119, %dma_start3A_120] : memref<2x128x256xf32, #tpu.memory_space<vmem>> -> memref<1x128x256xf32, #tpu.memory_space<vmem>>
        %dma_start3A_122 = tpu.memref_squeeze %dma_start3A_121 : memref<1x128x256xf32, #tpu.memory_space<vmem>> -> memref<128x256xf32, #tpu.memory_space<vmem>>
        %dma_start3A_123 = tpu.memref_slice %arg5[%mul3A_116] : memref<4096xi32, #tpu.memory_space<vmem>> -> memref<128xi32, #tpu.memory_space<vmem>>
        %dma_start3A_124 = arith.constant 0 : i32
        %dma_start3A_125 = arith.constant 0 : i32
        %dma_start3A_126 = tpu.memref_slice %arg3[%dma_start3A_124, %dma_start3A_125] : memref<100000x256xf32, #tpu.memory_space<hbm>> -> memref<100000x256xf32, #tpu.memory_space<hbm>>
        tpu.enqueue_indirect_dma source(%dma_start3A_126 : memref<100000x256xf32, #tpu.memory_space<hbm>>) target(%dma_start3A_122 : memref<128x256xf32, #tpu.memory_space<vmem>>) offsets(%dma_start3A_123 : memref<128xi32, #tpu.memory_space<vmem>>) semaphore(%arg7 : memref<!tpu.dma_semaphore, #tpu.memory_space<semaphore_mem>>)
      } else {
      }
      %mul3A_73 = arith.constant 128 : i32
      %mul3A_74 = arith.muli %scan3A_65, %mul3A_73 : i32
      %rem3A_75 = arith.constant 2 : i32
      %rem3A_76 = arith.remsi %scan3A_65, %rem3A_75 : i32
      %dma_wait3A_77 = arith.constant 0 : i32
      %dma_wait3A_78 = arith.constant 0 : i32
      %dma_wait3A_79 = tpu.memref_slice %arg6[%rem3A_76, %dma_wait3A_77, %dma_wait3A_78] : memref<2x128x256xf32, #tpu.memory_space<vmem>> -> memref<1x128x256xf32, #tpu.memory_space<vmem>>
      %dma_wait3A_80 = tpu.memref_squeeze %dma_wait3A_79 : memref<1x128x256xf32, #tpu.memory_space<vmem>> -> memref<128x256xf32, #tpu.memory_space<vmem>>
      %dma_wait3A_81 = tpu.memref_slice %arg5[%mul3A_74] : memref<4096xi32, #tpu.memory_space<vmem>> -> memref<128xi32, #tpu.memory_space<vmem>>
      %dma_wait3A_82 = arith.constant 0 : i32
      %dma_wait3A_83 = arith.constant 0 : i32
      %dma_wait3A_84 = tpu.memref_slice %arg3[%dma_wait3A_82, %dma_wait3A_83] : memref<100000x256xf32, #tpu.memory_space<hbm>> -> memref<100000x256xf32, #tpu.memory_space<hbm>>
      tpu.wait_indirect_dma semaphore(%arg7 : memref<!tpu.dma_semaphore, #tpu.memory_space<semaphore_mem>>) src(%dma_wait3A_84 : memref<100000x256xf32, #tpu.memory_space<hbm>>) dst(%dma_wait3A_80 : memref<128x256xf32, #tpu.memory_space<vmem>>)
      %rem3A_85 = arith.constant 2 : i32
      %rem3A_86 = arith.remsi %scan3A_65, %rem3A_85 : i32
      %mul3A_87 = arith.constant 128 : i32
      %mul3A_88 = arith.muli %scan3A_65, %mul3A_87 : i32
      %add3A_89 = arith.addi %mul3A_2, %mul3A_88 : i32
      %dma_start3A_90 = arith.constant 0 : i32
      %dma_start3A_91 = arith.constant 0 : i32
      %dma_start3A_92 = tpu.memref_slice %arg6[%rem3A_86, %dma_start3A_90, %dma_start3A_91] : memref<2x128x256xf32, #tpu.memory_space<vmem>> -> memref<1x128x256xf32, #tpu.memory_space<vmem>>
      %dma_start3A_93 = tpu.memref_squeeze %dma_start3A_92 : memref<1x128x256xf32, #tpu.memory_space<vmem>> -> memref<128x256xf32, #tpu.memory_space<vmem>>
      %dma_start3A_94 = arith.constant 0 : i32
      %dma_start3A_95 = tpu.memref_slice %arg4[%add3A_89, %dma_start3A_94] : memref<131072x256xf32, #tpu.memory_space<hbm>> -> memref<128x256xf32, #tpu.memory_space<hbm>>
      %dma_start3A_96 = arith.constant 0 : i32
      %dma_start3A_97 = tpu.memref_slice %arg4[%add3A_89, %dma_start3A_96] : memref<131072x256xf32, #tpu.memory_space<hbm>> -> memref<128x256xf32, #tpu.memory_space<hbm>>
      %dma_start3A_98 = arith.constant 0 : i32
      %dma_start3A_99 = arith.constant 0 : i32
      %dma_start3A_100 = tpu.memref_slice %arg6[%rem3A_86, %dma_start3A_98, %dma_start3A_99] : memref<2x128x256xf32, #tpu.memory_space<vmem>> -> memref<1x128x256xf32, #tpu.memory_space<vmem>>
      %dma_start3A_101 = tpu.memref_squeeze %dma_start3A_100 : memref<1x128x256xf32, #tpu.memory_space<vmem>> -> memref<128x256xf32, #tpu.memory_space<vmem>>
      tpu.enqueue_dma source(%dma_start3A_101 : memref<128x256xf32, #tpu.memory_space<vmem>>) target(%dma_start3A_97 : memref<128x256xf32, #tpu.memory_space<hbm>>) target_semaphore(%arg8 : memref<!tpu.dma_semaphore, #tpu.memory_space<semaphore_mem>>)
      %dma_wait3A_102 = arith.constant 0 : i32
      %dma_wait3A_103 = arith.constant 0 : i32
      %dma_wait3A_104 = tpu.memref_slice %arg6[%rem3A_86, %dma_wait3A_102, %dma_wait3A_103] : memref<2x128x256xf32, #tpu.memory_space<vmem>> -> memref<1x128x256xf32, #tpu.memory_space<vmem>>
      %dma_wait3A_105 = tpu.memref_squeeze %dma_wait3A_104 : memref<1x128x256xf32, #tpu.memory_space<vmem>> -> memref<128x256xf32, #tpu.memory_space<vmem>>
      %dma_wait3A_106 = arith.constant 0 : i32
      %dma_wait3A_107 = tpu.memref_slice %arg4[%add3A_89, %dma_wait3A_106] : memref<131072x256xf32, #tpu.memory_space<hbm>> -> memref<128x256xf32, #tpu.memory_space<hbm>>
      %dma_wait3A_108 = arith.constant 0 : i32
      %dma_wait3A_109 = tpu.memref_slice %arg4[%add3A_89, %dma_wait3A_108] : memref<131072x256xf32, #tpu.memory_space<hbm>> -> memref<128x256xf32, #tpu.memory_space<hbm>>
      %dma_wait3A_110 = arith.constant 0 : i32
      %dma_wait3A_111 = arith.constant 0 : i32
      %dma_wait3A_112 = tpu.memref_slice %arg6[%rem3A_86, %dma_wait3A_110, %dma_wait3A_111] : memref<2x128x256xf32, #tpu.memory_space<vmem>> -> memref<1x128x256xf32, #tpu.memory_space<vmem>>
      %dma_wait3A_113 = tpu.memref_squeeze %dma_wait3A_112 : memref<1x128x256xf32, #tpu.memory_space<vmem>> -> memref<128x256xf32, #tpu.memory_space<vmem>>
      tpu.wait_dma2 semaphore(%arg8 : memref<!tpu.dma_semaphore, #tpu.memory_space<semaphore_mem>>) src(%dma_wait3A_113 : memref<128x256xf32, #tpu.memory_space<vmem>>) dst(%dma_wait3A_109 : memref<128x256xf32, #tpu.memory_space<hbm>>)
      %scan3A_114 = arith.constant 0 : i32
      scf.yield %scan3A_114 : i32
    }
    %scan3A_17 = arith.constant 32 : i32
    return
  }
}

module attributes {stable_mosaic.version = 14 : i64} {
  func.func @_attn_body(%arg0: i32, %arg1: memref<1024x256xf32, #tpu.memory_space<vmem>>, %arg2: memref<16x1024x256xf32, #tpu.memory_space<vmem>>, %arg3: memref<1024x16xf32, #tpu.memory_space<vmem>>, %arg4: memref<2x256x64xf32, #tpu.memory_space<vmem>>, %arg5: memref<2x64x256xf32, #tpu.memory_space<vmem>>, %arg6: memref<256x256xf32, #tpu.memory_space<vmem>>, %arg7: memref<1024x256xf32, #tpu.memory_space<vmem>>) attributes {dimension_semantics = [#tpu.dimension_semantics<arbitrary>], iteration_bounds = array<i64: 8>, scalar_prefetch = 0 : i64, scratch_operands = 0 : i64, tpu.core_type = #tpu.core_type<tc>, window_params = [{transform_indices = @transform_0, window_bounds = array<i64: 1024, 256>}, {transform_indices = @transform_1, window_bounds = array<i64: 16, 1024, 256>}, {transform_indices = @transform_2, window_bounds = array<i64: 1024, 16>}, {pipeline_mode = #tpu.pipeline_mode<synchronous>, transform_indices = @transform_3, window_bounds = array<i64: 2, 256, 64>}, {pipeline_mode = #tpu.pipeline_mode<synchronous>, transform_indices = @transform_4, window_bounds = array<i64: 2, 64, 256>}, {pipeline_mode = #tpu.pipeline_mode<synchronous>, transform_indices = @transform_5, window_bounds = array<i64: 256, 256>}, {transform_indices = @transform_6, window_bounds = array<i64: 1024, 256>}]} {
    %get3A = arith.constant 0 : index
    %get3A_0 = arith.constant 0 : index
    %get3A_1 = vector.load %arg1[%get3A, %get3A_0] : memref<1024x256xf32, #tpu.memory_space<vmem>>, vector<1024x256xf32>
    %get3A_2 = arith.constant 0 : index
    %get3A_3 = arith.constant 0 : index
    %get3A_4 = arith.constant 0 : index
    %get3A_5 = vector.load %arg4[%get3A_2, %get3A_3, %get3A_4] : memref<2x256x64xf32, #tpu.memory_space<vmem>>, vector<2x256x64xf32>
    %get3A_6 = arith.constant 0 : index
    %get3A_7 = arith.constant 0 : index
    %get3A_8 = arith.constant 0 : index
    %get3A_9 = vector.load %arg5[%get3A_6, %get3A_7, %get3A_8] : memref<2x64x256xf32, #tpu.memory_space<vmem>>, vector<2x64x256xf32>
    %slice3A = vector.extract_strided_slice %get3A_5 {offsets = [0, 0, 0], sizes = [1, 256, 64], strides = [1, 1, 1]} : vector<2x256x64xf32> to vector<1x256x64xf32>
    %squeeze3A = vector.shape_cast %slice3A : vector<1x256x64xf32> to vector<256x64xf32>
    %dot_general3A = arith.constant dense<0.000000e+00> : vector<1024x64xf32>
    %dot_general3A_10 = tpu.matmul %get3A_1, %squeeze3A, %dot_general3A {dimension_numbers = #tpu.dot_dimension_numbers<[1], [0], [0], [1], [0, 0, 1, 1], [], []>, transpose_lhs_hint = false} : vector<1024x256xf32>, vector<256x64xf32>, vector<1024x64xf32> -> vector<1024x64xf32>
    %slice3A_11 = vector.extract_strided_slice %get3A_5 {offsets = [1, 0, 0], sizes = [1, 256, 64], strides = [1, 1, 1]} : vector<2x256x64xf32> to vector<1x256x64xf32>
    %squeeze3A_12 = vector.shape_cast %slice3A_11 : vector<1x256x64xf32> to vector<256x64xf32>
    %dot_general3A_13 = arith.constant dense<0.000000e+00> : vector<1024x64xf32>
    %dot_general3A_14 = tpu.matmul %get3A_1, %squeeze3A_12, %dot_general3A_13 {dimension_numbers = #tpu.dot_dimension_numbers<[1], [0], [0], [1], [0, 0, 1, 1], [], []>, transpose_lhs_hint = false} : vector<1024x256xf32>, vector<256x64xf32>, vector<1024x64xf32> -> vector<1024x64xf32>
    %slice3A_15 = vector.extract_strided_slice %get3A_9 {offsets = [0, 0, 0], sizes = [1, 64, 256], strides = [1, 1, 1]} : vector<2x64x256xf32> to vector<1x64x256xf32>
    %squeeze3A_16 = vector.shape_cast %slice3A_15 : vector<1x64x256xf32> to vector<64x256xf32>
    %dot_general3A_17 = arith.constant dense<0.000000e+00> : vector<1024x256xf32>
    %dot_general3A_18 = tpu.matmul %dot_general3A_10, %squeeze3A_16, %dot_general3A_17 {dimension_numbers = #tpu.dot_dimension_numbers<[1], [0], [0], [1], [0, 0, 1, 1], [], []>, transpose_lhs_hint = false} : vector<1024x64xf32>, vector<64x256xf32>, vector<1024x256xf32> -> vector<1024x256xf32>
    %mul3A = arith.constant 1.250000e-01 : f32
    %mul3A_19 = vector.broadcast %mul3A : f32 to vector<1024x256xf32>
    %mul3A_20 = arith.mulf %dot_general3A_18, %mul3A_19 : vector<1024x256xf32>
    %slice3A_21 = vector.extract_strided_slice %get3A_9 {offsets = [1, 0, 0], sizes = [1, 64, 256], strides = [1, 1, 1]} : vector<2x64x256xf32> to vector<1x64x256xf32>
    %squeeze3A_22 = vector.shape_cast %slice3A_21 : vector<1x64x256xf32> to vector<64x256xf32>
    %dot_general3A_23 = arith.constant dense<0.000000e+00> : vector<1024x256xf32>
    %dot_general3A_24 = tpu.matmul %dot_general3A_14, %squeeze3A_22, %dot_general3A_23 {dimension_numbers = #tpu.dot_dimension_numbers<[1], [0], [0], [1], [0, 0, 1, 1], [], []>, transpose_lhs_hint = false} : vector<1024x64xf32>, vector<64x256xf32>, vector<1024x256xf32> -> vector<1024x256xf32>
    %mul3A_25 = arith.constant 1.250000e-01 : f32
    %mul3A_26 = vector.broadcast %mul3A_25 : f32 to vector<1024x256xf32>
    %mul3A_27 = arith.mulf %dot_general3A_24, %mul3A_26 : vector<1024x256xf32>
    %get3A_28 = arith.constant 0 : index
    %get3A_29 = arith.constant 0 : index
    %get3A_30 = arith.constant 0 : index
    %get3A_31 = vector.load %arg2[%get3A_28, %get3A_29, %get3A_30] : memref<16x1024x256xf32, #tpu.memory_space<vmem>>, vector<1x1024x256xf32>
    %get3A_32 = vector.shape_cast %get3A_31 : vector<1x1024x256xf32> to vector<1024x256xf32>
    %mul3A_33 = arith.mulf %get3A_32, %mul3A_20 : vector<1024x256xf32>
    %reduce_sum3A = arith.constant dense<0.000000e+00> : vector<1024xf32>
    %reduce_sum3A_34 = vector.multi_reduction <add>, %mul3A_33, %reduce_sum3A [1] : vector<1024x256xf32> to vector<1024xf32>
    %broadcast_in_dim3A = vector.shape_cast %reduce_sum3A_34 : vector<1024xf32> to vector<1024x1xf32>
    %mul3A_35 = arith.mulf %get3A_32, %mul3A_27 : vector<1024x256xf32>
    %reduce_sum3A_36 = arith.constant dense<0.000000e+00> : vector<1024xf32>
    %reduce_sum3A_37 = vector.multi_reduction <add>, %mul3A_35, %reduce_sum3A_36 [1] : vector<1024x256xf32> to vector<1024xf32>
    %broadcast_in_dim3A_38 = vector.shape_cast %reduce_sum3A_37 : vector<1024xf32> to vector<1024x1xf32>
    %get3A_39 = arith.constant 1 : index
    %get3A_40 = arith.constant 0 : index
    %get3A_41 = arith.constant 0 : index
    %get3A_42 = vector.load %arg2[%get3A_39, %get3A_40, %get3A_41] : memref<16x1024x256xf32, #tpu.memory_space<vmem>>, vector<1x1024x256xf32>
    %get3A_43 = vector.shape_cast %get3A_42 : vector<1x1024x256xf32> to vector<1024x256xf32>
    %mul3A_44 = arith.mulf %get3A_43, %mul3A_20 : vector<1024x256xf32>
    %reduce_sum3A_45 = arith.constant dense<0.000000e+00> : vector<1024xf32>
    %reduce_sum3A_46 = vector.multi_reduction <add>, %mul3A_44, %reduce_sum3A_45 [1] : vector<1024x256xf32> to vector<1024xf32>
    %broadcast_in_dim3A_47 = vector.shape_cast %reduce_sum3A_46 : vector<1024xf32> to vector<1024x1xf32>
    %mul3A_48 = arith.mulf %get3A_43, %mul3A_27 : vector<1024x256xf32>
    %reduce_sum3A_49 = arith.constant dense<0.000000e+00> : vector<1024xf32>
    %reduce_sum3A_50 = vector.multi_reduction <add>, %mul3A_48, %reduce_sum3A_49 [1] : vector<1024x256xf32> to vector<1024xf32>
    %broadcast_in_dim3A_51 = vector.shape_cast %reduce_sum3A_50 : vector<1024xf32> to vector<1024x1xf32>
    %get3A_52 = arith.constant 2 : index
    %get3A_53 = arith.constant 0 : index
    %get3A_54 = arith.constant 0 : index
    %get3A_55 = vector.load %arg2[%get3A_52, %get3A_53, %get3A_54] : memref<16x1024x256xf32, #tpu.memory_space<vmem>>, vector<1x1024x256xf32>
    %get3A_56 = vector.shape_cast %get3A_55 : vector<1x1024x256xf32> to vector<1024x256xf32>
    %mul3A_57 = arith.mulf %get3A_56, %mul3A_20 : vector<1024x256xf32>
    %reduce_sum3A_58 = arith.constant dense<0.000000e+00> : vector<1024xf32>
    %reduce_sum3A_59 = vector.multi_reduction <add>, %mul3A_57, %reduce_sum3A_58 [1] : vector<1024x256xf32> to vector<1024xf32>
    %broadcast_in_dim3A_60 = vector.shape_cast %reduce_sum3A_59 : vector<1024xf32> to vector<1024x1xf32>
    %mul3A_61 = arith.mulf %get3A_56, %mul3A_27 : vector<1024x256xf32>
    %reduce_sum3A_62 = arith.constant dense<0.000000e+00> : vector<1024xf32>
    %reduce_sum3A_63 = vector.multi_reduction <add>, %mul3A_61, %reduce_sum3A_62 [1] : vector<1024x256xf32> to vector<1024xf32>
    %broadcast_in_dim3A_64 = vector.shape_cast %reduce_sum3A_63 : vector<1024xf32> to vector<1024x1xf32>
    %get3A_65 = arith.constant 3 : index
    %get3A_66 = arith.constant 0 : index
    %get3A_67 = arith.constant 0 : index
    %get3A_68 = vector.load %arg2[%get3A_65, %get3A_66, %get3A_67] : memref<16x1024x256xf32, #tpu.memory_space<vmem>>, vector<1x1024x256xf32>
    %get3A_69 = vector.shape_cast %get3A_68 : vector<1x1024x256xf32> to vector<1024x256xf32>
    %mul3A_70 = arith.mulf %get3A_69, %mul3A_20 : vector<1024x256xf32>
    %reduce_sum3A_71 = arith.constant dense<0.000000e+00> : vector<1024xf32>
    %reduce_sum3A_72 = vector.multi_reduction <add>, %mul3A_70, %reduce_sum3A_71 [1] : vector<1024x256xf32> to vector<1024xf32>
    %broadcast_in_dim3A_73 = vector.shape_cast %reduce_sum3A_72 : vector<1024xf32> to vector<1024x1xf32>
    %mul3A_74 = arith.mulf %get3A_69, %mul3A_27 : vector<1024x256xf32>
    %reduce_sum3A_75 = arith.constant dense<0.000000e+00> : vector<1024xf32>
    %reduce_sum3A_76 = vector.multi_reduction <add>, %mul3A_74, %reduce_sum3A_75 [1] : vector<1024x256xf32> to vector<1024xf32>
    %broadcast_in_dim3A_77 = vector.shape_cast %reduce_sum3A_76 : vector<1024xf32> to vector<1024x1xf32>
    %get3A_78 = arith.constant 4 : index
    %get3A_79 = arith.constant 0 : index
    %get3A_80 = arith.constant 0 : index
    %get3A_81 = vector.load %arg2[%get3A_78, %get3A_79, %get3A_80] : memref<16x1024x256xf32, #tpu.memory_space<vmem>>, vector<1x1024x256xf32>
    %get3A_82 = vector.shape_cast %get3A_81 : vector<1x1024x256xf32> to vector<1024x256xf32>
    %mul3A_83 = arith.mulf %get3A_82, %mul3A_20 : vector<1024x256xf32>
    %reduce_sum3A_84 = arith.constant dense<0.000000e+00> : vector<1024xf32>
    %reduce_sum3A_85 = vector.multi_reduction <add>, %mul3A_83, %reduce_sum3A_84 [1] : vector<1024x256xf32> to vector<1024xf32>
    %broadcast_in_dim3A_86 = vector.shape_cast %reduce_sum3A_85 : vector<1024xf32> to vector<1024x1xf32>
    %mul3A_87 = arith.mulf %get3A_82, %mul3A_27 : vector<1024x256xf32>
    %reduce_sum3A_88 = arith.constant dense<0.000000e+00> : vector<1024xf32>
    %reduce_sum3A_89 = vector.multi_reduction <add>, %mul3A_87, %reduce_sum3A_88 [1] : vector<1024x256xf32> to vector<1024xf32>
    %broadcast_in_dim3A_90 = vector.shape_cast %reduce_sum3A_89 : vector<1024xf32> to vector<1024x1xf32>
    %get3A_91 = arith.constant 5 : index
    %get3A_92 = arith.constant 0 : index
    %get3A_93 = arith.constant 0 : index
    %get3A_94 = vector.load %arg2[%get3A_91, %get3A_92, %get3A_93] : memref<16x1024x256xf32, #tpu.memory_space<vmem>>, vector<1x1024x256xf32>
    %get3A_95 = vector.shape_cast %get3A_94 : vector<1x1024x256xf32> to vector<1024x256xf32>
    %mul3A_96 = arith.mulf %get3A_95, %mul3A_20 : vector<1024x256xf32>
    %reduce_sum3A_97 = arith.constant dense<0.000000e+00> : vector<1024xf32>
    %reduce_sum3A_98 = vector.multi_reduction <add>, %mul3A_96, %reduce_sum3A_97 [1] : vector<1024x256xf32> to vector<1024xf32>
    %broadcast_in_dim3A_99 = vector.shape_cast %reduce_sum3A_98 : vector<1024xf32> to vector<1024x1xf32>
    %mul3A_100 = arith.mulf %get3A_95, %mul3A_27 : vector<1024x256xf32>
    %reduce_sum3A_101 = arith.constant dense<0.000000e+00> : vector<1024xf32>
    %reduce_sum3A_102 = vector.multi_reduction <add>, %mul3A_100, %reduce_sum3A_101 [1] : vector<1024x256xf32> to vector<1024xf32>
    %broadcast_in_dim3A_103 = vector.shape_cast %reduce_sum3A_102 : vector<1024xf32> to vector<1024x1xf32>
    %get3A_104 = arith.constant 6 : index
    %get3A_105 = arith.constant 0 : index
    %get3A_106 = arith.constant 0 : index
    %get3A_107 = vector.load %arg2[%get3A_104, %get3A_105, %get3A_106] : memref<16x1024x256xf32, #tpu.memory_space<vmem>>, vector<1x1024x256xf32>
    %get3A_108 = vector.shape_cast %get3A_107 : vector<1x1024x256xf32> to vector<1024x256xf32>
    %mul3A_109 = arith.mulf %get3A_108, %mul3A_20 : vector<1024x256xf32>
    %reduce_sum3A_110 = arith.constant dense<0.000000e+00> : vector<1024xf32>
    %reduce_sum3A_111 = vector.multi_reduction <add>, %mul3A_109, %reduce_sum3A_110 [1] : vector<1024x256xf32> to vector<1024xf32>
    %broadcast_in_dim3A_112 = vector.shape_cast %reduce_sum3A_111 : vector<1024xf32> to vector<1024x1xf32>
    %mul3A_113 = arith.mulf %get3A_108, %mul3A_27 : vector<1024x256xf32>
    %reduce_sum3A_114 = arith.constant dense<0.000000e+00> : vector<1024xf32>
    %reduce_sum3A_115 = vector.multi_reduction <add>, %mul3A_113, %reduce_sum3A_114 [1] : vector<1024x256xf32> to vector<1024xf32>
    %broadcast_in_dim3A_116 = vector.shape_cast %reduce_sum3A_115 : vector<1024xf32> to vector<1024x1xf32>
    %get3A_117 = arith.constant 7 : index
    %get3A_118 = arith.constant 0 : index
    %get3A_119 = arith.constant 0 : index
    %get3A_120 = vector.load %arg2[%get3A_117, %get3A_118, %get3A_119] : memref<16x1024x256xf32, #tpu.memory_space<vmem>>, vector<1x1024x256xf32>
    %get3A_121 = vector.shape_cast %get3A_120 : vector<1x1024x256xf32> to vector<1024x256xf32>
    %mul3A_122 = arith.mulf %get3A_121, %mul3A_20 : vector<1024x256xf32>
    %reduce_sum3A_123 = arith.constant dense<0.000000e+00> : vector<1024xf32>
    %reduce_sum3A_124 = vector.multi_reduction <add>, %mul3A_122, %reduce_sum3A_123 [1] : vector<1024x256xf32> to vector<1024xf32>
    %broadcast_in_dim3A_125 = vector.shape_cast %reduce_sum3A_124 : vector<1024xf32> to vector<1024x1xf32>
    %mul3A_126 = arith.mulf %get3A_121, %mul3A_27 : vector<1024x256xf32>
    %reduce_sum3A_127 = arith.constant dense<0.000000e+00> : vector<1024xf32>
    %reduce_sum3A_128 = vector.multi_reduction <add>, %mul3A_126, %reduce_sum3A_127 [1] : vector<1024x256xf32> to vector<1024xf32>
    %broadcast_in_dim3A_129 = vector.shape_cast %reduce_sum3A_128 : vector<1024xf32> to vector<1024x1xf32>
    %get3A_130 = arith.constant 8 : index
    %get3A_131 = arith.constant 0 : index
    %get3A_132 = arith.constant 0 : index
    %get3A_133 = vector.load %arg2[%get3A_130, %get3A_131, %get3A_132] : memref<16x1024x256xf32, #tpu.memory_space<vmem>>, vector<1x1024x256xf32>
    %get3A_134 = vector.shape_cast %get3A_133 : vector<1x1024x256xf32> to vector<1024x256xf32>
    %mul3A_135 = arith.mulf %get3A_134, %mul3A_20 : vector<1024x256xf32>
    %reduce_sum3A_136 = arith.constant dense<0.000000e+00> : vector<1024xf32>
    %reduce_sum3A_137 = vector.multi_reduction <add>, %mul3A_135, %reduce_sum3A_136 [1] : vector<1024x256xf32> to vector<1024xf32>
    %broadcast_in_dim3A_138 = vector.shape_cast %reduce_sum3A_137 : vector<1024xf32> to vector<1024x1xf32>
    %mul3A_139 = arith.mulf %get3A_134, %mul3A_27 : vector<1024x256xf32>
    %reduce_sum3A_140 = arith.constant dense<0.000000e+00> : vector<1024xf32>
    %reduce_sum3A_141 = vector.multi_reduction <add>, %mul3A_139, %reduce_sum3A_140 [1] : vector<1024x256xf32> to vector<1024xf32>
    %broadcast_in_dim3A_142 = vector.shape_cast %reduce_sum3A_141 : vector<1024xf32> to vector<1024x1xf32>
    %get3A_143 = arith.constant 9 : index
    %get3A_144 = arith.constant 0 : index
    %get3A_145 = arith.constant 0 : index
    %get3A_146 = vector.load %arg2[%get3A_143, %get3A_144, %get3A_145] : memref<16x1024x256xf32, #tpu.memory_space<vmem>>, vector<1x1024x256xf32>
    %get3A_147 = vector.shape_cast %get3A_146 : vector<1x1024x256xf32> to vector<1024x256xf32>
    %mul3A_148 = arith.mulf %get3A_147, %mul3A_20 : vector<1024x256xf32>
    %reduce_sum3A_149 = arith.constant dense<0.000000e+00> : vector<1024xf32>
    %reduce_sum3A_150 = vector.multi_reduction <add>, %mul3A_148, %reduce_sum3A_149 [1] : vector<1024x256xf32> to vector<1024xf32>
    %broadcast_in_dim3A_151 = vector.shape_cast %reduce_sum3A_150 : vector<1024xf32> to vector<1024x1xf32>
    %mul3A_152 = arith.mulf %get3A_147, %mul3A_27 : vector<1024x256xf32>
    %reduce_sum3A_153 = arith.constant dense<0.000000e+00> : vector<1024xf32>
    %reduce_sum3A_154 = vector.multi_reduction <add>, %mul3A_152, %reduce_sum3A_153 [1] : vector<1024x256xf32> to vector<1024xf32>
    %broadcast_in_dim3A_155 = vector.shape_cast %reduce_sum3A_154 : vector<1024xf32> to vector<1024x1xf32>
    %get3A_156 = arith.constant 10 : index
    %get3A_157 = arith.constant 0 : index
    %get3A_158 = arith.constant 0 : index
    %get3A_159 = vector.load %arg2[%get3A_156, %get3A_157, %get3A_158] : memref<16x1024x256xf32, #tpu.memory_space<vmem>>, vector<1x1024x256xf32>
    %get3A_160 = vector.shape_cast %get3A_159 : vector<1x1024x256xf32> to vector<1024x256xf32>
    %mul3A_161 = arith.mulf %get3A_160, %mul3A_20 : vector<1024x256xf32>
    %reduce_sum3A_162 = arith.constant dense<0.000000e+00> : vector<1024xf32>
    %reduce_sum3A_163 = vector.multi_reduction <add>, %mul3A_161, %reduce_sum3A_162 [1] : vector<1024x256xf32> to vector<1024xf32>
    %broadcast_in_dim3A_164 = vector.shape_cast %reduce_sum3A_163 : vector<1024xf32> to vector<1024x1xf32>
    %mul3A_165 = arith.mulf %get3A_160, %mul3A_27 : vector<1024x256xf32>
    %reduce_sum3A_166 = arith.constant dense<0.000000e+00> : vector<1024xf32>
    %reduce_sum3A_167 = vector.multi_reduction <add>, %mul3A_165, %reduce_sum3A_166 [1] : vector<1024x256xf32> to vector<1024xf32>
    %broadcast_in_dim3A_168 = vector.shape_cast %reduce_sum3A_167 : vector<1024xf32> to vector<1024x1xf32>
    %get3A_169 = arith.constant 11 : index
    %get3A_170 = arith.constant 0 : index
    %get3A_171 = arith.constant 0 : index
    %get3A_172 = vector.load %arg2[%get3A_169, %get3A_170, %get3A_171] : memref<16x1024x256xf32, #tpu.memory_space<vmem>>, vector<1x1024x256xf32>
    %get3A_173 = vector.shape_cast %get3A_172 : vector<1x1024x256xf32> to vector<1024x256xf32>
    %mul3A_174 = arith.mulf %get3A_173, %mul3A_20 : vector<1024x256xf32>
    %reduce_sum3A_175 = arith.constant dense<0.000000e+00> : vector<1024xf32>
    %reduce_sum3A_176 = vector.multi_reduction <add>, %mul3A_174, %reduce_sum3A_175 [1] : vector<1024x256xf32> to vector<1024xf32>
    %broadcast_in_dim3A_177 = vector.shape_cast %reduce_sum3A_176 : vector<1024xf32> to vector<1024x1xf32>
    %mul3A_178 = arith.mulf %get3A_173, %mul3A_27 : vector<1024x256xf32>
    %reduce_sum3A_179 = arith.constant dense<0.000000e+00> : vector<1024xf32>
    %reduce_sum3A_180 = vector.multi_reduction <add>, %mul3A_178, %reduce_sum3A_179 [1] : vector<1024x256xf32> to vector<1024xf32>
    %broadcast_in_dim3A_181 = vector.shape_cast %reduce_sum3A_180 : vector<1024xf32> to vector<1024x1xf32>
    %get3A_182 = arith.constant 12 : index
    %get3A_183 = arith.constant 0 : index
    %get3A_184 = arith.constant 0 : index
    %get3A_185 = vector.load %arg2[%get3A_182, %get3A_183, %get3A_184] : memref<16x1024x256xf32, #tpu.memory_space<vmem>>, vector<1x1024x256xf32>
    %get3A_186 = vector.shape_cast %get3A_185 : vector<1x1024x256xf32> to vector<1024x256xf32>
    %mul3A_187 = arith.mulf %get3A_186, %mul3A_20 : vector<1024x256xf32>
    %reduce_sum3A_188 = arith.constant dense<0.000000e+00> : vector<1024xf32>
    %reduce_sum3A_189 = vector.multi_reduction <add>, %mul3A_187, %reduce_sum3A_188 [1] : vector<1024x256xf32> to vector<1024xf32>
    %broadcast_in_dim3A_190 = vector.shape_cast %reduce_sum3A_189 : vector<1024xf32> to vector<1024x1xf32>
    %mul3A_191 = arith.mulf %get3A_186, %mul3A_27 : vector<1024x256xf32>
    %reduce_sum3A_192 = arith.constant dense<0.000000e+00> : vector<1024xf32>
    %reduce_sum3A_193 = vector.multi_reduction <add>, %mul3A_191, %reduce_sum3A_192 [1] : vector<1024x256xf32> to vector<1024xf32>
    %broadcast_in_dim3A_194 = vector.shape_cast %reduce_sum3A_193 : vector<1024xf32> to vector<1024x1xf32>
    %get3A_195 = arith.constant 13 : index
    %get3A_196 = arith.constant 0 : index
    %get3A_197 = arith.constant 0 : index
    %get3A_198 = vector.load %arg2[%get3A_195, %get3A_196, %get3A_197] : memref<16x1024x256xf32, #tpu.memory_space<vmem>>, vector<1x1024x256xf32>
    %get3A_199 = vector.shape_cast %get3A_198 : vector<1x1024x256xf32> to vector<1024x256xf32>
    %mul3A_200 = arith.mulf %get3A_199, %mul3A_20 : vector<1024x256xf32>
    %reduce_sum3A_201 = arith.constant dense<0.000000e+00> : vector<1024xf32>
    %reduce_sum3A_202 = vector.multi_reduction <add>, %mul3A_200, %reduce_sum3A_201 [1] : vector<1024x256xf32> to vector<1024xf32>
    %broadcast_in_dim3A_203 = vector.shape_cast %reduce_sum3A_202 : vector<1024xf32> to vector<1024x1xf32>
    %mul3A_204 = arith.mulf %get3A_199, %mul3A_27 : vector<1024x256xf32>
    %reduce_sum3A_205 = arith.constant dense<0.000000e+00> : vector<1024xf32>
    %reduce_sum3A_206 = vector.multi_reduction <add>, %mul3A_204, %reduce_sum3A_205 [1] : vector<1024x256xf32> to vector<1024xf32>
    %broadcast_in_dim3A_207 = vector.shape_cast %reduce_sum3A_206 : vector<1024xf32> to vector<1024x1xf32>
    %get3A_208 = arith.constant 14 : index
    %get3A_209 = arith.constant 0 : index
    %get3A_210 = arith.constant 0 : index
    %get3A_211 = vector.load %arg2[%get3A_208, %get3A_209, %get3A_210] : memref<16x1024x256xf32, #tpu.memory_space<vmem>>, vector<1x1024x256xf32>
    %get3A_212 = vector.shape_cast %get3A_211 : vector<1x1024x256xf32> to vector<1024x256xf32>
    %mul3A_213 = arith.mulf %get3A_212, %mul3A_20 : vector<1024x256xf32>
    %reduce_sum3A_214 = arith.constant dense<0.000000e+00> : vector<1024xf32>
    %reduce_sum3A_215 = vector.multi_reduction <add>, %mul3A_213, %reduce_sum3A_214 [1] : vector<1024x256xf32> to vector<1024xf32>
    %broadcast_in_dim3A_216 = vector.shape_cast %reduce_sum3A_215 : vector<1024xf32> to vector<1024x1xf32>
    %mul3A_217 = arith.mulf %get3A_212, %mul3A_27 : vector<1024x256xf32>
    %reduce_sum3A_218 = arith.constant dense<0.000000e+00> : vector<1024xf32>
    %reduce_sum3A_219 = vector.multi_reduction <add>, %mul3A_217, %reduce_sum3A_218 [1] : vector<1024x256xf32> to vector<1024xf32>
    %broadcast_in_dim3A_220 = vector.shape_cast %reduce_sum3A_219 : vector<1024xf32> to vector<1024x1xf32>
    %get3A_221 = arith.constant 15 : index
    %get3A_222 = arith.constant 0 : index
    %get3A_223 = arith.constant 0 : index
    %get3A_224 = vector.load %arg2[%get3A_221, %get3A_222, %get3A_223] : memref<16x1024x256xf32, #tpu.memory_space<vmem>>, vector<1x1024x256xf32>
    %get3A_225 = vector.shape_cast %get3A_224 : vector<1x1024x256xf32> to vector<1024x256xf32>
    %mul3A_226 = arith.mulf %get3A_225, %mul3A_20 : vector<1024x256xf32>
    %reduce_sum3A_227 = arith.constant dense<0.000000e+00> : vector<1024xf32>
    %reduce_sum3A_228 = vector.multi_reduction <add>, %mul3A_226, %reduce_sum3A_227 [1] : vector<1024x256xf32> to vector<1024xf32>
    %broadcast_in_dim3A_229 = vector.shape_cast %reduce_sum3A_228 : vector<1024xf32> to vector<1024x1xf32>
    %mul3A_230 = arith.mulf %get3A_225, %mul3A_27 : vector<1024x256xf32>
    %reduce_sum3A_231 = arith.constant dense<0.000000e+00> : vector<1024xf32>
    %reduce_sum3A_232 = vector.multi_reduction <add>, %mul3A_230, %reduce_sum3A_231 [1] : vector<1024x256xf32> to vector<1024xf32>
    %broadcast_in_dim3A_233 = vector.shape_cast %reduce_sum3A_232 : vector<1024xf32> to vector<1024x1xf32>
    %concatenate3A = tpu.concatenate %broadcast_in_dim3A, %broadcast_in_dim3A_47, %broadcast_in_dim3A_60, %broadcast_in_dim3A_73, %broadcast_in_dim3A_86, %broadcast_in_dim3A_99, %broadcast_in_dim3A_112, %broadcast_in_dim3A_125, %broadcast_in_dim3A_138, %broadcast_in_dim3A_151, %broadcast_in_dim3A_164, %broadcast_in_dim3A_177, %broadcast_in_dim3A_190, %broadcast_in_dim3A_203, %broadcast_in_dim3A_216, %broadcast_in_dim3A_229 in 1 : vector<1024x1xf32>, vector<1024x1xf32>, vector<1024x1xf32>, vector<1024x1xf32>, vector<1024x1xf32>, vector<1024x1xf32>, vector<1024x1xf32>, vector<1024x1xf32>, vector<1024x1xf32>, vector<1024x1xf32>, vector<1024x1xf32>, vector<1024x1xf32>, vector<1024x1xf32>, vector<1024x1xf32>, vector<1024x1xf32>, vector<1024x1xf32> -> vector<1024x16xf32>
    %concatenate3A_234 = tpu.concatenate %broadcast_in_dim3A_38, %broadcast_in_dim3A_51, %broadcast_in_dim3A_64, %broadcast_in_dim3A_77, %broadcast_in_dim3A_90, %broadcast_in_dim3A_103, %broadcast_in_dim3A_116, %broadcast_in_dim3A_129, %broadcast_in_dim3A_142, %broadcast_in_dim3A_155, %broadcast_in_dim3A_168, %broadcast_in_dim3A_181, %broadcast_in_dim3A_194, %broadcast_in_dim3A_207, %broadcast_in_dim3A_220, %broadcast_in_dim3A_233 in 1 : vector<1024x1xf32>, vector<1024x1xf32>, vector<1024x1xf32>, vector<1024x1xf32>, vector<1024x1xf32>, vector<1024x1xf32>, vector<1024x1xf32>, vector<1024x1xf32>, vector<1024x1xf32>, vector<1024x1xf32>, vector<1024x1xf32>, vector<1024x1xf32>, vector<1024x1xf32>, vector<1024x1xf32>, vector<1024x1xf32>, vector<1024x1xf32> -> vector<1024x16xf32>
    %get3A_235 = arith.constant 0 : index
    %get3A_236 = arith.constant 0 : index
    %get3A_237 = vector.load %arg3[%get3A_235, %get3A_236] : memref<1024x16xf32, #tpu.memory_space<vmem>>, vector<1024x16xf32>
    %reduce_sum3A_238 = arith.constant dense<0.000000e+00> : vector<1024xf32>
    %reduce_sum3A_239 = vector.multi_reduction <add>, %get3A_237, %reduce_sum3A_238 [1] : vector<1024x16xf32> to vector<1024xf32>
    %broadcast_in_dim3A_240 = vector.shape_cast %reduce_sum3A_239 : vector<1024xf32> to vector<1024x1xf32>
    %jit3A = arith.constant 9.99999971E-10 : f32
    %max3A = vector.broadcast %jit3A : f32 to vector<1024x1xf32>
    %max3A_241 = arith.maximumf %max3A, %broadcast_in_dim3A_240 : vector<1024x1xf32>
    %div3A = vector.broadcast %max3A_241 : vector<1024x1xf32> to vector<1024x16xf32>
    %div3A_242 = arith.divf %get3A_237, %div3A : vector<1024x16xf32>
    %log3A = math.log %div3A_242 : vector<1024x16xf32>
    %max3A_243 = arith.constant -1.000000e+01 : f32
    %max3A_244 = vector.broadcast %max3A_243 : f32 to vector<1024x16xf32>
    %max3A_245 = arith.maximumf %log3A, %max3A_244 : vector<1024x16xf32>
    %add3A = arith.addf %concatenate3A, %max3A_245 : vector<1024x16xf32>
    %add3A_246 = arith.addf %concatenate3A_234, %max3A_245 : vector<1024x16xf32>
    %reduce_max3A = arith.constant dense<0xFF800000> : vector<1024xf32>
    %reduce_max3A_247 = vector.multi_reduction <maximumf>, %add3A, %reduce_max3A [1] : vector<1024x16xf32> to vector<1024xf32>
    %broadcast_in_dim3A_248 = vector.shape_cast %reduce_max3A_247 : vector<1024xf32> to vector<1024x1xf32>
    %sub3A = vector.broadcast %broadcast_in_dim3A_248 : vector<1024x1xf32> to vector<1024x16xf32>
    %sub3A_249 = arith.subf %add3A, %sub3A : vector<1024x16xf32>
    %exp3A = math.exp %sub3A_249 : vector<1024x16xf32>
    %reduce_sum3A_250 = arith.constant dense<0.000000e+00> : vector<1024xf32>
    %reduce_sum3A_251 = vector.multi_reduction <add>, %exp3A, %reduce_sum3A_250 [1] : vector<1024x16xf32> to vector<1024xf32>
    %broadcast_in_dim3A_252 = vector.shape_cast %reduce_sum3A_251 : vector<1024xf32> to vector<1024x1xf32>
    %div3A_253 = vector.broadcast %broadcast_in_dim3A_252 : vector<1024x1xf32> to vector<1024x16xf32>
    %div3A_254 = arith.divf %exp3A, %div3A_253 : vector<1024x16xf32>
    %reduce_max3A_255 = arith.constant dense<0xFF800000> : vector<1024xf32>
    %reduce_max3A_256 = vector.multi_reduction <maximumf>, %add3A_246, %reduce_max3A_255 [1] : vector<1024x16xf32> to vector<1024xf32>
    %broadcast_in_dim3A_257 = vector.shape_cast %reduce_max3A_256 : vector<1024xf32> to vector<1024x1xf32>
    %sub3A_258 = vector.broadcast %broadcast_in_dim3A_257 : vector<1024x1xf32> to vector<1024x16xf32>
    %sub3A_259 = arith.subf %add3A_246, %sub3A_258 : vector<1024x16xf32>
    %exp3A_260 = math.exp %sub3A_259 : vector<1024x16xf32>
    %reduce_sum3A_261 = arith.constant dense<0.000000e+00> : vector<1024xf32>
    %reduce_sum3A_262 = vector.multi_reduction <add>, %exp3A_260, %reduce_sum3A_261 [1] : vector<1024x16xf32> to vector<1024xf32>
    %broadcast_in_dim3A_263 = vector.shape_cast %reduce_sum3A_262 : vector<1024xf32> to vector<1024x1xf32>
    %div3A_264 = vector.broadcast %broadcast_in_dim3A_263 : vector<1024x1xf32> to vector<1024x16xf32>
    %div3A_265 = arith.divf %exp3A_260, %div3A_264 : vector<1024x16xf32>
    %add3A_266 = arith.addf %div3A_254, %div3A_265 : vector<1024x16xf32>
    %mul3A_267 = arith.constant 5.000000e-01 : f32
    %mul3A_268 = vector.broadcast %mul3A_267 : f32 to vector<1024x16xf32>
    %mul3A_269 = arith.mulf %mul3A_268, %add3A_266 : vector<1024x16xf32>
    %get3A_270 = arith.constant 0 : index
    %get3A_271 = arith.constant 0 : index
    %get3A_272 = arith.constant 0 : index
    %get3A_273 = vector.load %arg2[%get3A_270, %get3A_271, %get3A_272] : memref<16x1024x256xf32, #tpu.memory_space<vmem>>, vector<1x1024x256xf32>
    %get3A_274 = vector.shape_cast %get3A_273 : vector<1x1024x256xf32> to vector<1024x256xf32>
    %slice3A_275 = vector.extract_strided_slice %mul3A_269 {offsets = [0, 0], sizes = [1024, 1], strides = [1, 1]} : vector<1024x16xf32> to vector<1024x1xf32>
    %mul3A_276 = vector.broadcast %slice3A_275 : vector<1024x1xf32> to vector<1024x256xf32>
    %mul3A_277 = arith.mulf %get3A_274, %mul3A_276 : vector<1024x256xf32>
    %get3A_278 = arith.constant 1 : index
    %get3A_279 = arith.constant 0 : index
    %get3A_280 = arith.constant 0 : index
    %get3A_281 = vector.load %arg2[%get3A_278, %get3A_279, %get3A_280] : memref<16x1024x256xf32, #tpu.memory_space<vmem>>, vector<1x1024x256xf32>
    %get3A_282 = vector.shape_cast %get3A_281 : vector<1x1024x256xf32> to vector<1024x256xf32>
    %slice3A_283 = vector.extract_strided_slice %mul3A_269 {offsets = [0, 1], sizes = [1024, 1], strides = [1, 1]} : vector<1024x16xf32> to vector<1024x1xf32>
    %mul3A_284 = vector.broadcast %slice3A_283 : vector<1024x1xf32> to vector<1024x256xf32>
    %mul3A_285 = arith.mulf %get3A_282, %mul3A_284 : vector<1024x256xf32>
    %add3A_286 = arith.addf %mul3A_277, %mul3A_285 : vector<1024x256xf32>
    %get3A_287 = arith.constant 2 : index
    %get3A_288 = arith.constant 0 : index
    %get3A_289 = arith.constant 0 : index
    %get3A_290 = vector.load %arg2[%get3A_287, %get3A_288, %get3A_289] : memref<16x1024x256xf32, #tpu.memory_space<vmem>>, vector<1x1024x256xf32>
    %get3A_291 = vector.shape_cast %get3A_290 : vector<1x1024x256xf32> to vector<1024x256xf32>
    %slice3A_292 = vector.extract_strided_slice %mul3A_269 {offsets = [0, 2], sizes = [1024, 1], strides = [1, 1]} : vector<1024x16xf32> to vector<1024x1xf32>
    %mul3A_293 = vector.broadcast %slice3A_292 : vector<1024x1xf32> to vector<1024x256xf32>
    %mul3A_294 = arith.mulf %get3A_291, %mul3A_293 : vector<1024x256xf32>
    %add3A_295 = arith.addf %add3A_286, %mul3A_294 : vector<1024x256xf32>
    %get3A_296 = arith.constant 3 : index
    %get3A_297 = arith.constant 0 : index
    %get3A_298 = arith.constant 0 : index
    %get3A_299 = vector.load %arg2[%get3A_296, %get3A_297, %get3A_298] : memref<16x1024x256xf32, #tpu.memory_space<vmem>>, vector<1x1024x256xf32>
    %get3A_300 = vector.shape_cast %get3A_299 : vector<1x1024x256xf32> to vector<1024x256xf32>
    %slice3A_301 = vector.extract_strided_slice %mul3A_269 {offsets = [0, 3], sizes = [1024, 1], strides = [1, 1]} : vector<1024x16xf32> to vector<1024x1xf32>
    %mul3A_302 = vector.broadcast %slice3A_301 : vector<1024x1xf32> to vector<1024x256xf32>
    %mul3A_303 = arith.mulf %get3A_300, %mul3A_302 : vector<1024x256xf32>
    %add3A_304 = arith.addf %add3A_295, %mul3A_303 : vector<1024x256xf32>
    %get3A_305 = arith.constant 4 : index
    %get3A_306 = arith.constant 0 : index
    %get3A_307 = arith.constant 0 : index
    %get3A_308 = vector.load %arg2[%get3A_305, %get3A_306, %get3A_307] : memref<16x1024x256xf32, #tpu.memory_space<vmem>>, vector<1x1024x256xf32>
    %get3A_309 = vector.shape_cast %get3A_308 : vector<1x1024x256xf32> to vector<1024x256xf32>
    %slice3A_310 = vector.extract_strided_slice %mul3A_269 {offsets = [0, 4], sizes = [1024, 1], strides = [1, 1]} : vector<1024x16xf32> to vector<1024x1xf32>
    %mul3A_311 = vector.broadcast %slice3A_310 : vector<1024x1xf32> to vector<1024x256xf32>
    %mul3A_312 = arith.mulf %get3A_309, %mul3A_311 : vector<1024x256xf32>
    %add3A_313 = arith.addf %add3A_304, %mul3A_312 : vector<1024x256xf32>
    %get3A_314 = arith.constant 5 : index
    %get3A_315 = arith.constant 0 : index
    %get3A_316 = arith.constant 0 : index
    %get3A_317 = vector.load %arg2[%get3A_314, %get3A_315, %get3A_316] : memref<16x1024x256xf32, #tpu.memory_space<vmem>>, vector<1x1024x256xf32>
    %get3A_318 = vector.shape_cast %get3A_317 : vector<1x1024x256xf32> to vector<1024x256xf32>
    %slice3A_319 = vector.extract_strided_slice %mul3A_269 {offsets = [0, 5], sizes = [1024, 1], strides = [1, 1]} : vector<1024x16xf32> to vector<1024x1xf32>
    %mul3A_320 = vector.broadcast %slice3A_319 : vector<1024x1xf32> to vector<1024x256xf32>
    %mul3A_321 = arith.mulf %get3A_318, %mul3A_320 : vector<1024x256xf32>
    %add3A_322 = arith.addf %add3A_313, %mul3A_321 : vector<1024x256xf32>
    %get3A_323 = arith.constant 6 : index
    %get3A_324 = arith.constant 0 : index
    %get3A_325 = arith.constant 0 : index
    %get3A_326 = vector.load %arg2[%get3A_323, %get3A_324, %get3A_325] : memref<16x1024x256xf32, #tpu.memory_space<vmem>>, vector<1x1024x256xf32>
    %get3A_327 = vector.shape_cast %get3A_326 : vector<1x1024x256xf32> to vector<1024x256xf32>
    %slice3A_328 = vector.extract_strided_slice %mul3A_269 {offsets = [0, 6], sizes = [1024, 1], strides = [1, 1]} : vector<1024x16xf32> to vector<1024x1xf32>
    %mul3A_329 = vector.broadcast %slice3A_328 : vector<1024x1xf32> to vector<1024x256xf32>
    %mul3A_330 = arith.mulf %get3A_327, %mul3A_329 : vector<1024x256xf32>
    %add3A_331 = arith.addf %add3A_322, %mul3A_330 : vector<1024x256xf32>
    %get3A_332 = arith.constant 7 : index
    %get3A_333 = arith.constant 0 : index
    %get3A_334 = arith.constant 0 : index
    %get3A_335 = vector.load %arg2[%get3A_332, %get3A_333, %get3A_334] : memref<16x1024x256xf32, #tpu.memory_space<vmem>>, vector<1x1024x256xf32>
    %get3A_336 = vector.shape_cast %get3A_335 : vector<1x1024x256xf32> to vector<1024x256xf32>
    %slice3A_337 = vector.extract_strided_slice %mul3A_269 {offsets = [0, 7], sizes = [1024, 1], strides = [1, 1]} : vector<1024x16xf32> to vector<1024x1xf32>
    %mul3A_338 = vector.broadcast %slice3A_337 : vector<1024x1xf32> to vector<1024x256xf32>
    %mul3A_339 = arith.mulf %get3A_336, %mul3A_338 : vector<1024x256xf32>
    %add3A_340 = arith.addf %add3A_331, %mul3A_339 : vector<1024x256xf32>
    %get3A_341 = arith.constant 8 : index
    %get3A_342 = arith.constant 0 : index
    %get3A_343 = arith.constant 0 : index
    %get3A_344 = vector.load %arg2[%get3A_341, %get3A_342, %get3A_343] : memref<16x1024x256xf32, #tpu.memory_space<vmem>>, vector<1x1024x256xf32>
    %get3A_345 = vector.shape_cast %get3A_344 : vector<1x1024x256xf32> to vector<1024x256xf32>
    %slice3A_346 = vector.extract_strided_slice %mul3A_269 {offsets = [0, 8], sizes = [1024, 1], strides = [1, 1]} : vector<1024x16xf32> to vector<1024x1xf32>
    %mul3A_347 = vector.broadcast %slice3A_346 : vector<1024x1xf32> to vector<1024x256xf32>
    %mul3A_348 = arith.mulf %get3A_345, %mul3A_347 : vector<1024x256xf32>
    %add3A_349 = arith.addf %add3A_340, %mul3A_348 : vector<1024x256xf32>
    %get3A_350 = arith.constant 9 : index
    %get3A_351 = arith.constant 0 : index
    %get3A_352 = arith.constant 0 : index
    %get3A_353 = vector.load %arg2[%get3A_350, %get3A_351, %get3A_352] : memref<16x1024x256xf32, #tpu.memory_space<vmem>>, vector<1x1024x256xf32>
    %get3A_354 = vector.shape_cast %get3A_353 : vector<1x1024x256xf32> to vector<1024x256xf32>
    %slice3A_355 = vector.extract_strided_slice %mul3A_269 {offsets = [0, 9], sizes = [1024, 1], strides = [1, 1]} : vector<1024x16xf32> to vector<1024x1xf32>
    %mul3A_356 = vector.broadcast %slice3A_355 : vector<1024x1xf32> to vector<1024x256xf32>
    %mul3A_357 = arith.mulf %get3A_354, %mul3A_356 : vector<1024x256xf32>
    %add3A_358 = arith.addf %add3A_349, %mul3A_357 : vector<1024x256xf32>
    %get3A_359 = arith.constant 10 : index
    %get3A_360 = arith.constant 0 : index
    %get3A_361 = arith.constant 0 : index
    %get3A_362 = vector.load %arg2[%get3A_359, %get3A_360, %get3A_361] : memref<16x1024x256xf32, #tpu.memory_space<vmem>>, vector<1x1024x256xf32>
    %get3A_363 = vector.shape_cast %get3A_362 : vector<1x1024x256xf32> to vector<1024x256xf32>
    %slice3A_364 = vector.extract_strided_slice %mul3A_269 {offsets = [0, 10], sizes = [1024, 1], strides = [1, 1]} : vector<1024x16xf32> to vector<1024x1xf32>
    %mul3A_365 = vector.broadcast %slice3A_364 : vector<1024x1xf32> to vector<1024x256xf32>
    %mul3A_366 = arith.mulf %get3A_363, %mul3A_365 : vector<1024x256xf32>
    %add3A_367 = arith.addf %add3A_358, %mul3A_366 : vector<1024x256xf32>
    %get3A_368 = arith.constant 11 : index
    %get3A_369 = arith.constant 0 : index
    %get3A_370 = arith.constant 0 : index
    %get3A_371 = vector.load %arg2[%get3A_368, %get3A_369, %get3A_370] : memref<16x1024x256xf32, #tpu.memory_space<vmem>>, vector<1x1024x256xf32>
    %get3A_372 = vector.shape_cast %get3A_371 : vector<1x1024x256xf32> to vector<1024x256xf32>
    %slice3A_373 = vector.extract_strided_slice %mul3A_269 {offsets = [0, 11], sizes = [1024, 1], strides = [1, 1]} : vector<1024x16xf32> to vector<1024x1xf32>
    %mul3A_374 = vector.broadcast %slice3A_373 : vector<1024x1xf32> to vector<1024x256xf32>
    %mul3A_375 = arith.mulf %get3A_372, %mul3A_374 : vector<1024x256xf32>
    %add3A_376 = arith.addf %add3A_367, %mul3A_375 : vector<1024x256xf32>
    %get3A_377 = arith.constant 12 : index
    %get3A_378 = arith.constant 0 : index
    %get3A_379 = arith.constant 0 : index
    %get3A_380 = vector.load %arg2[%get3A_377, %get3A_378, %get3A_379] : memref<16x1024x256xf32, #tpu.memory_space<vmem>>, vector<1x1024x256xf32>
    %get3A_381 = vector.shape_cast %get3A_380 : vector<1x1024x256xf32> to vector<1024x256xf32>
    %slice3A_382 = vector.extract_strided_slice %mul3A_269 {offsets = [0, 12], sizes = [1024, 1], strides = [1, 1]} : vector<1024x16xf32> to vector<1024x1xf32>
    %mul3A_383 = vector.broadcast %slice3A_382 : vector<1024x1xf32> to vector<1024x256xf32>
    %mul3A_384 = arith.mulf %get3A_381, %mul3A_383 : vector<1024x256xf32>
    %add3A_385 = arith.addf %add3A_376, %mul3A_384 : vector<1024x256xf32>
    %get3A_386 = arith.constant 13 : index
    %get3A_387 = arith.constant 0 : index
    %get3A_388 = arith.constant 0 : index
    %get3A_389 = vector.load %arg2[%get3A_386, %get3A_387, %get3A_388] : memref<16x1024x256xf32, #tpu.memory_space<vmem>>, vector<1x1024x256xf32>
    %get3A_390 = vector.shape_cast %get3A_389 : vector<1x1024x256xf32> to vector<1024x256xf32>
    %slice3A_391 = vector.extract_strided_slice %mul3A_269 {offsets = [0, 13], sizes = [1024, 1], strides = [1, 1]} : vector<1024x16xf32> to vector<1024x1xf32>
    %mul3A_392 = vector.broadcast %slice3A_391 : vector<1024x1xf32> to vector<1024x256xf32>
    %mul3A_393 = arith.mulf %get3A_390, %mul3A_392 : vector<1024x256xf32>
    %add3A_394 = arith.addf %add3A_385, %mul3A_393 : vector<1024x256xf32>
    %get3A_395 = arith.constant 14 : index
    %get3A_396 = arith.constant 0 : index
    %get3A_397 = arith.constant 0 : index
    %get3A_398 = vector.load %arg2[%get3A_395, %get3A_396, %get3A_397] : memref<16x1024x256xf32, #tpu.memory_space<vmem>>, vector<1x1024x256xf32>
    %get3A_399 = vector.shape_cast %get3A_398 : vector<1x1024x256xf32> to vector<1024x256xf32>
    %slice3A_400 = vector.extract_strided_slice %mul3A_269 {offsets = [0, 14], sizes = [1024, 1], strides = [1, 1]} : vector<1024x16xf32> to vector<1024x1xf32>
    %mul3A_401 = vector.broadcast %slice3A_400 : vector<1024x1xf32> to vector<1024x256xf32>
    %mul3A_402 = arith.mulf %get3A_399, %mul3A_401 : vector<1024x256xf32>
    %add3A_403 = arith.addf %add3A_394, %mul3A_402 : vector<1024x256xf32>
    %get3A_404 = arith.constant 15 : index
    %get3A_405 = arith.constant 0 : index
    %get3A_406 = arith.constant 0 : index
    %get3A_407 = vector.load %arg2[%get3A_404, %get3A_405, %get3A_406] : memref<16x1024x256xf32, #tpu.memory_space<vmem>>, vector<1x1024x256xf32>
    %get3A_408 = vector.shape_cast %get3A_407 : vector<1x1024x256xf32> to vector<1024x256xf32>
    %slice3A_409 = vector.extract_strided_slice %mul3A_269 {offsets = [0, 15], sizes = [1024, 1], strides = [1, 1]} : vector<1024x16xf32> to vector<1024x1xf32>
    %mul3A_410 = vector.broadcast %slice3A_409 : vector<1024x1xf32> to vector<1024x256xf32>
    %mul3A_411 = arith.mulf %get3A_408, %mul3A_410 : vector<1024x256xf32>
    %add3A_412 = arith.addf %add3A_403, %mul3A_411 : vector<1024x256xf32>
    %get3A_413 = arith.constant 0 : index
    %get3A_414 = arith.constant 0 : index
    %get3A_415 = vector.load %arg6[%get3A_413, %get3A_414] : memref<256x256xf32, #tpu.memory_space<vmem>>, vector<256x256xf32>
    %dot_general3A_416 = arith.constant dense<0.000000e+00> : vector<1024x256xf32>
    %dot_general3A_417 = tpu.matmul %add3A_412, %get3A_415, %dot_general3A_416 {dimension_numbers = #tpu.dot_dimension_numbers<[1], [0], [0], [1], [0, 0, 1, 1], [], []>, transpose_lhs_hint = false} : vector<1024x256xf32>, vector<256x256xf32>, vector<1024x256xf32> -> vector<1024x256xf32>
    %add3A_418 = arith.addf %get3A_1, %dot_general3A_417 : vector<1024x256xf32>
    %swap3A = arith.constant 0 : index
    %swap3A_419 = arith.constant 0 : index
    %swap3A_420 = vector.load %arg7[%swap3A, %swap3A_419] : memref<1024x256xf32, #tpu.memory_space<vmem>>, vector<1024x256xf32>
    tpu.vector_store %arg7[%swap3A, %swap3A_419], %add3A_418 {strides = array<i32>} : memref<1024x256xf32, #tpu.memory_space<vmem>>, vector<1024x256xf32>,
    return
  }
  func.func @transform_0(%arg0: i32) -> (i32, i32) {
    %c0_i32 = arith.constant 0 : i32
    %c0_i32_0 = arith.constant 0 : i32
    return %arg0, %c0_i32 : i32, i32
  }
  func.func @transform_1(%arg0: i32) -> (i32, i32, i32) {
    %c0_i32 = arith.constant 0 : i32
    %c0_i32_0 = arith.constant 0 : i32
    %c0_i32_1 = arith.constant 0 : i32
    return %c0_i32, %arg0, %c0_i32_0 : i32, i32, i32
  }
  func.func @transform_2(%arg0: i32) -> (i32, i32) {
    %c0_i32 = arith.constant 0 : i32
    %c0_i32_0 = arith.constant 0 : i32
    return %arg0, %c0_i32 : i32, i32
  }
  func.func @transform_3(%arg0: i32) -> (i32, i32, i32) {
    %c0_i32 = arith.constant 0 : i32
    %c0_i32_0 = arith.constant 0 : i32
    %c0_i32_1 = arith.constant 0 : i32
    %c0_i32_2 = arith.constant 0 : i32
    return %c0_i32, %c0_i32_0, %c0_i32_1 : i32, i32, i32
  }
  func.func @transform_4(%arg0: i32) -> (i32, i32, i32) {
    %c0_i32 = arith.constant 0 : i32
    %c0_i32_0 = arith.constant 0 : i32
    %c0_i32_1 = arith.constant 0 : i32
    %c0_i32_2 = arith.constant 0 : i32
    return %c0_i32, %c0_i32_0, %c0_i32_1 : i32, i32, i32
  }
  func.func @transform_5(%arg0: i32) -> (i32, i32) {
    %c0_i32 = arith.constant 0 : i32
    %c0_i32_0 = arith.constant 0 : i32
    %c0_i32_1 = arith.constant 0 : i32
    return %c0_i32, %c0_i32_0 : i32, i32
  }
  func.func @transform_6(%arg0: i32) -> (i32, i32) {
    %c0_i32 = arith.constant 0 : i32
    %c0_i32_0 = arith.constant 0 : i32
    return %arg0, %c0_i32 : i32, i32
  }
}

</mosaic_0001>

<sc_bundles>
// kernel: kernel.4.cloned.1.call-start
scs
__scs_entry_jumppad:
0x0: {  	(pc) =	sbr.rel $0x88, $3  }
0x1: {  	(tag) =	ssettag $0x0;
	lr =	simm.s32 $0x1  }
0x2: {  	[smem:$0x3F9A] =	sst lr;
	_ =	strace $0xD0000000  }
0x3: {  	_ = 	snop  }
0x4: {  	_ = 	snop  }
0x5: {  	_ = 	snop  }
0x6: {  	_ = 	snop  }
0x7: {  	_ = 	snop  }
__scs_overlays_trampoline_lowered:
0x8: {  	[smem:$0x3FA9] =	sst s0  }
0x9: {  	[smem:$0x3FAA] =	sst s1  }
0xa: {  	[smem:$0x3FAB] =	sst s2  }
0xb: {  	[smem:$0x3FAC] =	sst s3  }
0xc: {  	[smem:$0x3FAD] =	sst s4  }
0xd: {  	[smem:$0x3FAE] =	sst s5  }
0xe: {  	[smem:$0x3FAF] =	sst s6  }
0xf: {  	[smem:$0x3FB0] =	sst s7  }
0x10: {  	[smem:$0x3FB1] =	sst s8  }
0x11: {  	[smem:$0x3FB2] =	sst s9;
	s0 =	simm.s32 @!p0 $0x0  }
0x12: {  	s1 =	sld [smem:$0x3F98];
	s0 =	simm.s32 @p0 $0x1  }
0x13: {  	[smem:$0x3FB3] =	sst s0;
	s0 =	simm.s32 @!p1 $0x0  }
0x14: {  	s2 =	sld [smem:$0x3F97];
	s0 =	simm.s32 @p1 $0x1  }
0x15: {  	[smem:$0x3FB4] =	sst s0;
	s0 =	simm.s32 @!p2 $0x0  }
0x16: {  	s3 =	sld [smem:$0x3FDB];
	s0 =	simm.s32 @p2 $0x1  }
0x17: {  	s4 =	simm.s32 $0x1BF5;
	[smem:$0x3FB6] =	sst s0  }
0x18: {  	s0 =	sld [smem:$0x3F99];
	_ =	swait.ge [sflag:s4], $0x0  }
0x19: {  	s7 =	sld [smem:$0x3F9A]  }
0x1a: {  	s8 =	sadd.s32 $0xFFFFE003, lr  }
0x1b: {  	s9 =	sadd.s32 $0xFFFFFEF7, lr;
	s5 =	simm.s32 $0xFFFFFFFF;
	p2 =	slt.u32 s8, $0xFFFFF086  }
0x1c: {  	p1 =	slt.u32 s9, $0xF7A;
	s5 =	simm.s32 @!p2 $0x0  }
0x1d: {  	s5 =	simm.s32 @p1 $0x1;
	p0 =	seq.s32 s7, s2  }
0x1e: {  	s7 =	smul.u32 @!p0 $0xF7A, s2;
	p2 =	seq.s32 @!p0 s5, $0x0  }
0x1f: {  	s9 =	smul.u32 $0xF7A, s1;
	s8 =	simm.s32 @!p0 $0x1BF5;
	p2 =	por !p2, p0  }
0x20: {  	[sflag:s8] =	ssyncset.s32 @!p0 $0xFFFFF086;
	s6 =	sadd.s32 @!p0 s3, s7;
	s7 =	simm.s32 @!p0 $0x108  }
0x21: {  	s3 =	sadd.s32 s3, s9;
	s6 =	sadd.s32 @!p0 $0x88, s6;
	s7 =	simm.s32 @p2 $0x1082  }
0x22: {  	[simem:s7], [sflag:s8] =	dma.local @!p0 [hbm:s6], $0xF7A  }
0x23: {  	s9 =	sor.u32 $0xD0000000, s2;
	s6 =	simm.s32 $0x108;
	_ =	swait.ge @!p0 [sflag:s8], $0x0  }
0x24: {  	s3 =	sadd.s32 $0x88, s3;
	s6 =	simm.s32 @!p1 $0x1082;
	[sflag:s4] =	ssyncset.s32 $0xFFFFF086  }
0x25: {  	[simem:s6], [sflag:s4] =	dma.local [hbm:s3], $0xF7A  }
0x26: {  	[smem:$0x3F9A] =	sst s1;
	(tag) =	ssettag s2;
	_ =	strace s9  }
0x27: {  	s1 =	sld [smem:$0x3FAA]  }
0x28: {  	s2 =	sld [smem:$0x3FAB]  }
0x29: {  	s4 =	sld [smem:$0x3FAD]  }
0x2a: {  	p0 =	seq.s32 s5, $0x0;
	s5 =	sld [smem:$0x3FAE]  }
0x2b: {  	s6 =	sld [smem:$0x3FAF]  }
0x2c: {  	s7 =	sld [smem:$0x3FB0]  }
0x2d: {  	s3 =	simm.s32 $0x108;
	s8 =	sld [smem:$0x3FB1]  }
0x2e: {  	s3 =	simm.s32 @!p0 $0x1082;
	s9 =	sld [smem:$0x3FB2]  }
0x2f: {  	lr =	sadd.s32 s0, s3;
	s0 =	sld [smem:$0x3FA9]  }
0x30: {  	s3 =	sld [smem:$0x3FAC]  }
0x31: {  	[smem:$0x3FB5] =	sst s10  }
0x32: {  	s10 =	sld [smem:$0x3FB3];
	_ =	sdelay $0x3  }
0x33: {  	p0 =	seq.s32 s10, $0x1;
	s10 =	sld [smem:$0x3FB5];
	_ =	sdelay $0x3  }
0x34: {  	[smem:$0x3FB5] =	sst s10  }
0x35: {  	s10 =	sld [smem:$0x3FB4];
	_ =	sdelay $0x3  }
0x36: {  	p1 =	seq.s32 s10, $0x1;
	s10 =	sld [smem:$0x3FB5];
	_ =	sdelay $0x3  }
0x37: {  	[smem:$0x3FB5] =	sst s10  }
0x38: {  	s10 =	sld [smem:$0x3FB6]  }
0x39: {  	_ = 	snop;
	(pc) =	sbr.ind lr, $3  }
0x3a: {  	_ = 	snop  }
0x3b: {  	_ = 	snop  }
0x3c: {  	p2 =	seq.s32 s10, $0x1;
	s10 =	sld [smem:$0x3FB5]  }
0x3d: {  	_ =	shalt  }
0x3e: {  	_ =	shalt  }
0x3f: {  	_ =	shalt  }
0x40: {  	_ =	shalt  }
0x41: {  	_ =	shalt  }
0x42: {  	_ =	shalt  }
0x43: {  	_ =	shalt  }
0x44: {  	_ =	shalt  }
0x45: {  	_ =	shalt  }
0x46: {  	_ =	shalt  }
0x47: {  	_ =	shalt  }
0x48: {  	_ =	shalt  }
0x49: {  	_ =	shalt  }
0x4a: {  	_ =	shalt  }
0x4b: {  	_ =	shalt  }
0x4c: {  	_ =	shalt  }
0x4d: {  	_ =	shalt  }
0x4e: {  	_ =	shalt  }
0x4f: {  	_ =	shalt  }
0x50: {  	_ =	shalt  }
0x51: {  	_ =	shalt  }
0x52: {  	_ =	shalt  }
0x53: {  	_ =	shalt  }
0x54: {  	_ =	shalt  }
0x55: {  	_ =	shalt  }
0x56: {  	_ =	shalt  }
0x57: {  	_ =	shalt  }
0x58: {  	_ =	shalt  }
0x59: {  	_ =	shalt  }
0x5a: {  	_ =	shalt  }
0x5b: {  	_ =	shalt  }
0x5c: {  	_ =	shalt  }
0x5d: {  	_ =	shalt  }
0x5e: {  	_ =	shalt  }
0x5f: {  	_ =	shalt  }
0x60: {  	_ =	shalt  }
0x61: {  	_ =	shalt  }
0x62: {  	_ =	shalt  }
0x63: {  	_ =	shalt  }
0x64: {  	_ =	shalt  }
0x65: {  	_ =	shalt  }
0x66: {  	_ =	shalt  }
0x67: {  	_ =	shalt  }
0x68: {  	_ =	shalt  }
0x69: {  	_ =	shalt  }
0x6a: {  	_ =	shalt  }
0x6b: {  	_ =	shalt  }
0x6c: {  	_ =	shalt  }
0x6d: {  	_ =	shalt  }
0x6e: {  	_ =	shalt  }
0x6f: {  	_ =	shalt  }
0x70: {  	_ =	shalt  }
0x71: {  	_ =	shalt  }
0x72: {  	_ =	shalt  }
0x73: {  	_ =	shalt  }
0x74: {  	_ =	shalt  }
0x75: {  	_ =	shalt  }
0x76: {  	_ =	shalt  }
0x77: {  	_ =	shalt  }
0x78: {  	_ =	shalt  }
0x79: {  	_ =	shalt  }
0x7a: {  	_ =	shalt  }
0x7b: {  	_ =	shalt  }
0x7c: {  	_ =	shalt  }
0x7d: {  	_ =	shalt  }
0x7e: {  	_ =	shalt  }
0x7f: {  	_ =	shalt  }
0x80: {  	_ =	shalt  }
0x81: {  	_ =	shalt  }
0x82: {  	_ =	shalt  }
0x83: {  	_ =	shalt  }
0x84: {  	_ =	shalt  }
0x85: {  	_ =	shalt  }
0x86: {  	_ =	shalt  }
0x87: {  	_ =	shalt  }
.Lfunc_end0:
.L_simem_size_0:
called_computation_lowered:
.L_overlay_start_0:
0x88: {  	s2 =	sld [smem:$0x3FD9]  }
0x89: {  	s3 =	sld [smem:$0x3FFE];
	_ =	sdelay $0x1  }
0x8a: {  	s1 =	srdreg.scid  }
0x8b: {  	s0 =	sand.u32 $0x1, s1  }
0x8c: {  	s17 =	sshll.u32 s0, $0xA;
	s2 =	sadd.s32 s3, s2  }
0x8d: {  	s2 =	sadd.s32 s2, s17  }
0x8e: {  	[smem:$0x3FC1] =	sst s2  }
0x8f: {  	_ = 	snop  }
0x90: {  	s2 =	sld [smem:$0x3FC8]  }
0x91: {  	s18 =	sld [smem:$0x3FD0];
	(tm) =	ssettm $0x1  }
0x92: {  	s4 =	sld [smem:$0x3FFB];
	_ =	sdelay $0x3  }
0x93: {  	_ =	strace s4  }
0x94: {  	s4 =	sld [smem:$0x3FFC];
	_ =	sdelay $0x3  }
0x95: {  	_ =	strace s4  }
0x96: {  	s4 =	sld [smem:$0x3FFD];
	_ =	sdelay $0x3  }
0x97: {  	_ =	strace s4  }
0x98: {  	_ =	strace $0x8FFFFFFF  }
0x99: {  	s19 =	sld [smem:$0x3FDB];
	_ =	sdelay $0x1  }
0x9a: {  	s5 =	simm.s32 $_scs_section_size  }
0x9b: {  	s6 =	simm.s32 $_size__tile_overlayer_lowered;
	s7 =	simm.s32 $_tile_overlayer_lowered  }
0x9c: {  	s22 =	simm.s32 $0x1BFF;
	s21 =	sshll.u32 s7, $0x1;
	s4 =	sadd.s32 s5, s19  }
0x9d: {  	s8 =	simm.s32 $0x0;
	s20 =	sshll.u32 s6, $0x1;
	s6 =	sadd.s32 s21, s4  }
0x9e: {  	[timem:s8], [sflag:s22] =	dma.local [hbm:s6], s20  }
0x9f: {  	_ =	swait.ge [sflag:s22], s20  }
0xa0: {  	s5 =	ssub.s32 $0x0, s20;
	[sflag:s22] =	ssyncset.done $0x0  }
0xa1: {  	[sflag:s22] =	ssyncadd.s32 s5;
	_ =	sdelay $0x1  }
0xa2: {  	s23 =	simm.s32 $0x1B8B  }
0xa3: {  	_ =	swait.ge [sflag:s23], $0x1  }
0xa4: {  	[sflag:s23] =	ssyncset.done $0x0  }
0xa5: {  	s25 =	simm.s32 $0x1B8E;
	s24 =	sld [smem:$0x3FFE];
	[sflag:s23] =	ssyncadd.s32 $0xFFFFFFFF  }
0xa6: {  	s26 =	simm.s32 $execute0_lowered;
	[smem:$0x3FD2] =	sst s25  }
0xa7: {  	s6 =	sshll.u32 s26, $0x1;
	_ =	strace $0x80000046;
	[dreg:$0x1] =	wrdreg $0xFFFFFFFF  }
0xa8: {  	s28 =	simm.s32 $_size_execute0_lowered;
	s4 =	sadd.s32 s4, s6;
	[dreg:$0x0] =	wrdreg $0x0  }
0xa9: {  	s6 =	sshll.u32 s28, $0x1;
	[dreg:$0x2] =	wrdreg s4  }
0xaa: {  	[dreg:$0x3] =	wrdreg s6  }
0xab: {  	[dreg:$0x4] =	wrdreg $0xC0  }
0xac: {  	_ =	task [dreg:s8], $0x5FFFF  }
0xad: {  	[dreg:$0x1] =	wrdreg $0xFFFFFFFF  }
0xae: {  	[dreg:$0x0] =	wrdreg $0x60  }
0xaf: {  	[dreg:$0x2] =	wrdreg s18  }
0xb0: {  	[dreg:$0x3] =	wrdreg s2  }
0xb1: {  	[dreg:$0x4] =	wrdreg s24  }
0xb2: {  	[dreg:$0x5] =	wrdreg $0x9  }
0xb3: {  	_ =	task.clear_ibuf [dreg:s8], $0x6FFFF;
	_ =	strace $0x90000046  }
0xb4: {  	s29 =	simm.s32 $0x9;
	_ =	strace $0x80000048  }
0xb5: {  	_ =	swait.ge [sflag:s29], $0x1  }
0xb6: {  	[sflag:s29] =	ssyncadd.s32 $0xFFFFFFFF  }
0xb7: {  	_ =	strace $0x90000048  }
0xb8: {  	_ =	sfence  }
0xb9: {  	s30 =	sld [smem:$0x0];
	_ =	sdelay $0x2  }
0xba: {  	s31 =	sshll.u32 s1, $0xD;
	s1 =	sshrl.u32 s1, $0x2  }
0xbb: {  	s3 =	sand.u32 $0x4000, s31;
	s1 =	sadd.s32 s1, s30  }
0xbc: {  	s0 =	sor.u32 s3, s0;
	s1 =	sshll.u32 s1, $0x11  }
0xbd: {  	s0 =	sor.u32 s1, s0  }
0xbe: {  	s0 =	sadd.s32 $0x8F2B, s0  }
0xbf: {  	[sflag:s0] =	ssyncadd.remote.s32 $0x1  }
0xc0: {  	_ =	sfence.sel $0xFFFF  }
0xc1: {  	[dreg:$0x0] =	wrdreg $0xFFFFFFFF;
	(pc) =	sbr.abs _section_cstart, $3  }
0xc2: {  	[dreg:$0x1] =	wrdreg $0xFFFFFFFF  }
0xc3: {  	_ =	task.clear_ibuf [dreg:s8], $0x2FFFF;
	_ =	strace $0x9FFFFFFF  }
0xc4: {  	(tm) =	ssettm $0x7FFFFFFF  }
0xc5: {  	_ =	shalt  }
tec
execute0_lowered:
.L_overlay_start_1:
0x0: {  	(tag) =	ssettag $0x1  }
0x1: {  	s0 =	rddreg [dreg:$0x0]  }
0x2: {  	s2 =	rddreg [dreg:$0x1]  }
0x3: {  	s1 =	rddreg [dreg:$0x2];
	s3 =	simm.s32 $0x0;
	s6 =	stileid.u32  }
0x4: {  	s5 =	srdreg.scid;
	s18 =	simm.s32 $0x6000;
	s19 =	simm.s32 $0x6800  }
0x5: {  	s20 =	simm.s32 $0x7000;
	s21 =	simm.s32 $0x7800;
	s22 =	simm.s32 $0x8000  }
0x6: {  	s23 =	simm.s32 $0x8800;
	s28 =	simm.s32 $0xA800;
	s29 =	simm.s32 $0xB000  }
0x7: {  	s30 =	simm.s32 $0xB800;
	s31 =	simm.s32 $0xC000;
	s9 =	simm.s32 $0xF800  }
0x8: {  	s10 =	simm.s32 $0x10000;
	s11 =	simm.s32 $0x10800;
	s12 =	simm.s32 $0x1  }
0x9: {  	s13 =	simm.s32 $0x2;
	s15 =	simm.s32 $0x0;
	[smem:$0x7FF] =	sst s3  }
0xa: {  	s4 =	sshll.u32 s6, $0x12;
	s24 =	sand.u32 $0x1, s5;
	s6 =	sshll.u32 s6, $0xD  }
0xb: {  	_ =	strace $0x80000047;
	s1 =	sadd.s32 s4, s1;
	s5 =	ssub.s32 $0x2, s24  }
0xc: {  	s7 =	sshll.u32 s24, $0xC;
	s4 =	sshll.u32 s24, $0x11;
	s24 =	simm.s32 $0x9000  }
0xd: {  	s8 =	sshrl.u32 s5, $0x1;
	s6 =	sor.u32 s7, s6;
	s1 =	sadd.s32 s4, s1  }
0xe: {  	s4 =	simm.s32 $0xD800;
	s7 =	simm.s32 $0xF000;
	s5 =	ssub.s32 s5, s8  }
.Ltmp0:
0xf: {  	s6 =	sshrl.u32 s6, $0x3;
	s26 =	sadd.s32 $0x1A00, s1;
	(pc) =	sbr.rel .LBB2_1-.Ltmp0, $4  }
0x10: {  	s8 =	simm.s32 $0x1000;
	s1 =	simm.s32 $0xD000;
	s0 =	sadd.s32 s0, s6  }
0x11: {  	v2 =	vlaneseq.u32;
	s25 =	smax.u32 s5, $0x1;
	[dreg:$0x6] =	wrdreg s26;
	s26 =	simm.s32 $0xA000  }
0x12: {  	vm0 =	vmmov $0xffff;
	v1 =	vshrl.u32 v2, $0x3;
	s5 =	simm.s32 $0xE000;
	s6 =	simm.s32 $0xE800;
	[dreg:$0x4] =	wrdreg s0  }
0x13: {  	v0 =	vand.u32 $0x7, v2;
	v2 =	vor.u32 $0x8, v2;
	v1 =	vmul.u32 $0x8, v1;
	[dreg:$0x5] =	wrdreg s25;
	s25 =	simm.s32 $0x9800;
	s0 =	simm.s32 $0xC800  }
.LBB2_5:
0x14: {  	s15 =	rddreg [dreg:$0x7]  }
0x15: {  	s14 =	rddreg [dreg:$0x5];
	s15 =	sadd.s32 $0x1, s15  }
0x16: {  	p0 =	sne.s32 s15, s14  }
.Ltmp1:
0x17: {  	_ = 	snop;
	(pc) =	sbr.rel @!p0 .LBB2_6-.Ltmp1, $1  }
0x18: {  	_ =	sdelay $0x3  }
.LBB2_1:
0x19: {  	[dreg:$0x7] =	wrdreg s15  }
0x1a: {  	s14 =	rddreg [dreg:$0x4];
	s17 =	simm.s32 $0x3  }
0x1b: {  	[tilespmem:s3], [sflag:$0x3] =	stream.linear.gather [hbm4b:s14+s3], $0x1000, $0x38;
	[tilespmem:$0x11000] =	vst v63  }
0x1c: {  	_ =	swait.ge [sflag:s17], $0x1000  }
0x1d: {  	[sflag:s17] =	ssyncset.done $0x0  }
0x1e: {  	[sflag:s17] =	ssyncadd.s32 $0xFFFFF000  }
0x1f: {  	v3 =	vld [tilespmem:$0x0];
	_ =	sdelay $0x4  }
0x20: {  	v4 =	vshll.u32 v3, $0x1  }
0x21: {  	v3 =	vand.u32 $0x7, v3;
	v4 =	vand.u32 $0xFFFFFFF0, v4  }
0x22: {  	v3 =	vor.u32 v3, v4  }
0x23: {  	v4 =	vperm.xlane v3, v0;
	_ =	sdelay $0x1  }
0x24: {  	v3 =	vperm.xlane v3, v2;
	v4 =	vadd.s32 v1, v4;
	_ =	sdelay $0x1  }
0x25: {  	v3 =	vadd.s32 v1, v3;
	_ =	sdelay $0x2  }
0x26: {  	[tilespmem:s8], [sflag:$0x1] =	stream.indirect_vreg.gather [hbm4b:s2+s3], $0x80, v4, vm0, $0xb8;
	[tilespmem:$0x11000] =	vst v63  }
0x27: {  	s15 =	simm.s32 $0x1800  }
0x28: {  	[tilespmem:s15], [sflag:$0x1] =	stream.indirect_vreg.gather [hbm4b:s2+s3], $0x80, v3, vm0, $0xb8;
	[tilespmem:$0x11000] =	vst v63  }
0x29: {  	v3 =	vld [tilespmem:$0x10];
	_ =	sdelay $0x4  }
0x2a: {  	v57 =	vshll.u32 v3, $0x1  }
0x2b: {  	v3 =	vand.u32 $0x7, v3;
	v4 =	vand.u32 $0xFFFFFFF0, v57  }
0x2c: {  	v3 =	vor.u32 v3, v4  }
0x2d: {  	v4 =	vperm.xlane v3, v0;
	_ =	sdelay $0x1  }
0x2e: {  	v3 =	vperm.xlane v3, v2;
	v4 =	vadd.s32 v1, v4;
	_ =	sdelay $0x1  }
0x2f: {  	v3 =	vadd.s32 v1, v3;
	_ =	sdelay $0x1  }
0x30: {  	s16 =	simm.s32 $0x2000  }
0x31: {  	[tilespmem:s16], [sflag:$0x1] =	stream.indirect_vreg.gather [hbm4b:s2+s3], $0x80, v4, vm0, $0xb8;
	[tilespmem:$0x11000] =	vst v63  }
0x32: {  	s17 =	simm.s32 $0x2800  }
0x33: {  	[tilespmem:s17], [sflag:$0x1] =	stream.indirect_vreg.gather [hbm4b:s2+s3], $0x80, v3, vm0, $0xb8;
	[tilespmem:$0x11000] =	vst v63  }
0x34: {  	v3 =	vld [tilespmem:$0x20];
	_ =	sdelay $0x4  }
0x35: {  	v58 =	vshll.u32 v3, $0x1  }
0x36: {  	v3 =	vand.u32 $0x7, v3;
	v4 =	vand.u32 $0xFFFFFFF0, v58  }
0x37: {  	v3 =	vor.u32 v3, v4  }
0x38: {  	v4 =	vperm.xlane v3, v0;
	_ =	sdelay $0x1  }
0x39: {  	v3 =	vperm.xlane v3, v2;
	v4 =	vadd.s32 v1, v4;
	_ =	sdelay $0x1  }
0x3a: {  	v3 =	vadd.s32 v1, v3;
	_ =	sdelay $0x1  }
0x3b: {  	s15 =	simm.s32 $0x3000  }
0x3c: {  	[tilespmem:s15], [sflag:$0x1] =	stream.indirect_vreg.gather [hbm4b:s2+s3], $0x80, v4, vm0, $0xb8;
	[tilespmem:$0x11000] =	vst v63  }
0x3d: {  	s16 =	simm.s32 $0x3800  }
0x3e: {  	[tilespmem:s16], [sflag:$0x1] =	stream.indirect_vreg.gather [hbm4b:s2+s3], $0x80, v3, vm0, $0xb8;
	[tilespmem:$0x11000] =	vst v63  }
0x3f: {  	v3 =	vld [tilespmem:$0x30];
	_ =	sdelay $0x4  }
0x40: {  	v59 =	vshll.u32 v3, $0x1  }
0x41: {  	v3 =	vand.u32 $0x7, v3;
	v4 =	vand.u32 $0xFFFFFFF0, v59  }
0x42: {  	v3 =	vor.u32 v3, v4  }
0x43: {  	v4 =	vperm.xlane v3, v0;
	_ =	sdelay $0x1  }
0x44: {  	v3 =	vperm.xlane v3, v2;
	v4 =	vadd.s32 v1, v4;
	_ =	sdelay $0x1  }
0x45: {  	v3 =	vadd.s32 v1, v3;
	_ =	sdelay $0x1  }
0x46: {  	s17 =	simm.s32 $0x4000  }
0x47: {  	[tilespmem:s17], [sflag:$0x1] =	stream.indirect_vreg.gather [hbm4b:s2+s3], $0x80, v4, vm0, $0xb8;
	[tilespmem:$0x11000] =	vst v63  }
0x48: {  	s15 =	simm.s32 $0x4800  }
0x49: {  	[tilespmem:s15], [sflag:$0x1] =	stream.indirect_vreg.gather [hbm4b:s2+s3], $0x80, v3, vm0, $0xb8;
	[tilespmem:$0x11000] =	vst v63  }
0x4a: {  	v3 =	vld [tilespmem:$0x40];
	_ =	sdelay $0x4  }
0x4b: {  	v60 =	vshll.u32 v3, $0x1  }
0x4c: {  	v3 =	vand.u32 $0x7, v3;
	v4 =	vand.u32 $0xFFFFFFF0, v60  }
0x4d: {  	v3 =	vor.u32 v3, v4  }
0x4e: {  	v4 =	vperm.xlane v3, v0;
	_ =	sdelay $0x1  }
0x4f: {  	v3 =	vperm.xlane v3, v2;
	v4 =	vadd.s32 v1, v4;
	_ =	sdelay $0x1  }
0x50: {  	v3 =	vadd.s32 v1, v3;
	_ =	sdelay $0x1  }
0x51: {  	s16 =	simm.s32 $0x5000  }
0x52: {  	[tilespmem:s16], [sflag:$0x1] =	stream.indirect_vreg.gather [hbm4b:s2+s3], $0x80, v4, vm0, $0xb8;
	[tilespmem:$0x11000] =	vst v63  }
0x53: {  	s17 =	simm.s32 $0x5800  }
0x54: {  	[tilespmem:s17], [sflag:$0x1] =	stream.indirect_vreg.gather [hbm4b:s2+s3], $0x80, v3, vm0, $0xb8;
	[tilespmem:$0x11000] =	vst v63  }
0x55: {  	v3 =	vld [tilespmem:$0x50];
	_ =	sdelay $0x4  }
0x56: {  	v61 =	vshll.u32 v3, $0x1  }
0x57: {  	v3 =	vand.u32 $0x7, v3;
	v4 =	vand.u32 $0xFFFFFFF0, v61  }
0x58: {  	v3 =	vor.u32 v3, v4  }
0x59: {  	v4 =	vperm.xlane v3, v0;
	_ =	sdelay $0x1  }
0x5a: {  	v3 =	vperm.xlane v3, v2;
	v4 =	vadd.s32 v1, v4;
	_ =	sdelay $0x1  }
0x5b: {  	v3 =	vadd.s32 v1, v3;
	_ =	sdelay $0x2  }
0x5c: {  	[tilespmem:s18], [sflag:$0x1] =	stream.indirect_vreg.gather [hbm4b:s2+s3], $0x80, v4, vm0, $0xb8;
	[tilespmem:$0x11000] =	vst v63  }
0x5d: {  	_ = 	snop  }
0x5e: {  	[tilespmem:s19], [sflag:$0x1] =	stream.indirect_vreg.gather [hbm4b:s2+s3], $0x80, v3, vm0, $0xb8;
	[tilespmem:$0x11000] =	vst v63  }
0x5f: {  	v3 =	vld [tilespmem:$0x60];
	_ =	sdelay $0x4  }
0x60: {  	v62 =	vshll.u32 v3, $0x1  }
0x61: {  	v3 =	vand.u32 $0x7, v3;
	v4 =	vand.u32 $0xFFFFFFF0, v62  }
0x62: {  	v3 =	vor.u32 v3, v4  }
0x63: {  	v4 =	vperm.xlane v3, v0;
	_ =	sdelay $0x1  }
0x64: {  	v3 =	vperm.xlane v3, v2;
	v4 =	vadd.s32 v1, v4;
	_ =	sdelay $0x1  }
0x65: {  	v3 =	vadd.s32 v1, v3;
	_ =	sdelay $0x2  }
0x66: {  	[tilespmem:s20], [sflag:$0x1] =	stream.indirect_vreg.gather [hbm4b:s2+s3], $0x80, v4, vm0, $0xb8;
	[tilespmem:$0x11000] =	vst v63  }
0x67: {  	_ = 	snop  }
0x68: {  	[tilespmem:s21], [sflag:$0x1] =	stream.indirect_vreg.gather [hbm4b:s2+s3], $0x80, v3, vm0, $0xb8;
	[tilespmem:$0x11000] =	vst v63  }
0x69: {  	v3 =	vld [tilespmem:$0x70];
	_ =	sdelay $0x4  }
0x6a: {  	v63 =	vshll.u32 v3, $0x1  }
0x6b: {  	v3 =	vand.u32 $0x7, v3;
	v4 =	vand.u32 $0xFFFFFFF0, v63  }
0x6c: {  	v3 =	vor.u32 v3, v4  }
0x6d: {  	v4 =	vperm.xlane v3, v0;
	_ =	sdelay $0x1  }
0x6e: {  	v3 =	vperm.xlane v3, v2;
	v4 =	vadd.s32 v1, v4;
	_ =	sdelay $0x1  }
0x6f: {  	v3 =	vadd.s32 v1, v3  }
.Ltmp2:
0x70: {  	_ = 	snop;
	(pc) =	sbr.rel .LBB2_2-.Ltmp2, $4  }
0x71: {  	_ = 	snop  }
0x72: {  	[tilespmem:s22], [sflag:$0x1] =	stream.indirect_vreg.gather [hbm4b:s2+s3], $0x80, v4, vm0, $0xb8;
	[tilespmem:$0x11000] =	vst v63  }
0x73: {  	s14 =	simm.s32 $0xFFFFFFFE;
	s15 =	simm.s32 $0xC0;
	s16 =	rddreg [dreg:$0x6]  }
0x74: {  	[tilespmem:s23], [sflag:$0x1] =	stream.indirect_vreg.gather [hbm4b:s2+s3], $0x80, v3, vm0, $0xb8;
	[tilespmem:$0x11000] =	vst v63  }
.LBB2_4:
0x75: {  	_ =	swait.ge [sflag:s12], $0x8000  }
0x76: {  	p0 =	slt.u32 s14, $0x1E;
	[sflag:s12] =	ssyncset.done $0x0  }
.Ltmp3:
0x77: {  	[sflag:s12] =	ssyncadd.s32 $0xFFFF8000;
	(pc) =	sbr.rel @!p0 .LBB2_5-.Ltmp3, $4  }
0x78: {  	[hbm4b:s16+s3] =	stream.linear.scatter [tilespmem:s24], [sflag:$0x2], $0x8000, $0x38;
	[tilespmem:$0x11000] =	vst v63  }
0x79: {  	_ =	swait.ge [sflag:s13], $0x8000  }
0x7a: {  	[sflag:s13] =	ssyncset.done $0x0  }
0x7b: {  	s15 =	sadd.s32 $0x100, s15;
	s16 =	sadd.s32 $0x2000, s16;
	[sflag:s13] =	ssyncadd.s32 $0xFFFF8000  }
.LBB2_2:
0x7c: {  	v3 =	vld [tilespmem:s15+$0xFFFFFFC0];
	_ =	sdelay $0x4  }
0x7d: {  	v4 =	vshll.u32 v3, $0x1  }
0x7e: {  	v3 =	vand.u32 $0x7, v3;
	v4 =	vand.u32 $0xFFFFFFF0, v4  }
0x7f: {  	v3 =	vor.u32 v3, v4  }
0x80: {  	v4 =	vperm.xlane v3, v0;
	_ =	sdelay $0x1  }
0x81: {  	v3 =	vperm.xlane v3, v2;
	v4 =	vadd.s32 v1, v4;
	_ =	sdelay $0x1  }
0x82: {  	v3 =	vadd.s32 v1, v3;
	_ =	sdelay $0x2  }
0x83: {  	[tilespmem:s24], [sflag:$0x1] =	stream.indirect_vreg.gather [hbm4b:s2+s3], $0x80, v4, vm0, $0xb8;
	[tilespmem:$0x11000] =	vst v63  }
0x84: {  	_ = 	snop  }
0x85: {  	[tilespmem:s25], [sflag:$0x1] =	stream.indirect_vreg.gather [hbm4b:s2+s3], $0x80, v3, vm0, $0xb8;
	[tilespmem:$0x11000] =	vst v63  }
0x86: {  	v3 =	vld [tilespmem:s15+$0xFFFFFFD0];
	_ =	sdelay $0x4  }
0x87: {  	v57 =	vshll.u32 v3, $0x1  }
0x88: {  	v3 =	vand.u32 $0x7, v3;
	v4 =	vand.u32 $0xFFFFFFF0, v57  }
0x89: {  	v3 =	vor.u32 v3, v4  }
0x8a: {  	v4 =	vperm.xlane v3, v0;
	_ =	sdelay $0x1  }
0x8b: {  	v3 =	vperm.xlane v3, v2;
	v4 =	vadd.s32 v1, v4;
	_ =	sdelay $0x1  }
0x8c: {  	v3 =	vadd.s32 v1, v3;
	_ =	sdelay $0x2  }
0x8d: {  	[tilespmem:s26], [sflag:$0x1] =	stream.indirect_vreg.gather [hbm4b:s2+s3], $0x80, v4, vm0, $0xb8;
	[tilespmem:$0x11000] =	vst v63  }
0x8e: {  	_ = 	snop  }
0x8f: {  	[tilespmem:s28], [sflag:$0x1] =	stream.indirect_vreg.gather [hbm4b:s2+s3], $0x80, v3, vm0, $0xb8;
	[tilespmem:$0x11000] =	vst v63  }
0x90: {  	v3 =	vld [tilespmem:s15+$0xFFFFFFE0];
	_ =	sdelay $0x4  }
0x91: {  	v58 =	vshll.u32 v3, $0x1  }
0x92: {  	v3 =	vand.u32 $0x7, v3;
	v4 =	vand.u32 $0xFFFFFFF0, v58  }
0x93: {  	v3 =	vor.u32 v3, v4  }
0x94: {  	v4 =	vperm.xlane v3, v0;
	_ =	sdelay $0x1  }
0x95: {  	v3 =	vperm.xlane v3, v2;
	v4 =	vadd.s32 v1, v4;
	_ =	sdelay $0x1  }
0x96: {  	v3 =	vadd.s32 v1, v3;
	_ =	sdelay $0x2  }
0x97: {  	[tilespmem:s29], [sflag:$0x1] =	stream.indirect_vreg.gather [hbm4b:s2+s3], $0x80, v4, vm0, $0xb8;
	[tilespmem:$0x11000] =	vst v63  }
0x98: {  	_ = 	snop  }
0x99: {  	[tilespmem:s30], [sflag:$0x1] =	stream.indirect_vreg.gather [hbm4b:s2+s3], $0x80, v3, vm0, $0xb8;
	[tilespmem:$0x11000] =	vst v63  }
0x9a: {  	v3 =	vld [tilespmem:s15+$0xFFFFFFF0];
	_ =	sdelay $0x4  }
0x9b: {  	v59 =	vshll.u32 v3, $0x1  }
0x9c: {  	v3 =	vand.u32 $0x7, v3;
	v4 =	vand.u32 $0xFFFFFFF0, v59  }
0x9d: {  	v3 =	vor.u32 v3, v4  }
0x9e: {  	v4 =	vperm.xlane v3, v0;
	_ =	sdelay $0x1  }
0x9f: {  	v3 =	vperm.xlane v3, v2;
	v4 =	vadd.s32 v1, v4;
	_ =	sdelay $0x1  }
0xa0: {  	v3 =	vadd.s32 v1, v3;
	_ =	sdelay $0x2  }
0xa1: {  	[tilespmem:s31], [sflag:$0x1] =	stream.indirect_vreg.gather [hbm4b:s2+s3], $0x80, v4, vm0, $0xb8;
	[tilespmem:$0x11000] =	vst v63  }
0xa2: {  	_ = 	snop  }
0xa3: {  	[tilespmem:s0], [sflag:$0x1] =	stream.indirect_vreg.gather [hbm4b:s2+s3], $0x80, v3, vm0, $0xb8;
	[tilespmem:$0x11000] =	vst v63  }
0xa4: {  	v3 =	vld [tilespmem:s15+$0x0];
	_ =	sdelay $0x4  }
0xa5: {  	v60 =	vshll.u32 v3, $0x1  }
0xa6: {  	v3 =	vand.u32 $0x7, v3;
	v4 =	vand.u32 $0xFFFFFFF0, v60  }
0xa7: {  	v3 =	vor.u32 v3, v4  }
0xa8: {  	v4 =	vperm.xlane v3, v0;
	_ =	sdelay $0x1  }
0xa9: {  	v3 =	vperm.xlane v3, v2;
	v4 =	vadd.s32 v1, v4;
	_ =	sdelay $0x1  }
0xaa: {  	v3 =	vadd.s32 v1, v3;
	_ =	sdelay $0x2  }
0xab: {  	[tilespmem:s1], [sflag:$0x1] =	stream.indirect_vreg.gather [hbm4b:s2+s3], $0x80, v4, vm0, $0xb8;
	[tilespmem:$0x11000] =	vst v63  }
0xac: {  	_ = 	snop  }
0xad: {  	[tilespmem:s4], [sflag:$0x1] =	stream.indirect_vreg.gather [hbm4b:s2+s3], $0x80, v3, vm0, $0xb8;
	[tilespmem:$0x11000] =	vst v63  }
0xae: {  	v3 =	vld [tilespmem:s15+$0x10];
	_ =	sdelay $0x4  }
0xaf: {  	v61 =	vshll.u32 v3, $0x1  }
0xb0: {  	v3 =	vand.u32 $0x7, v3;
	v4 =	vand.u32 $0xFFFFFFF0, v61  }
0xb1: {  	v3 =	vor.u32 v3, v4  }
0xb2: {  	v4 =	vperm.xlane v3, v0;
	_ =	sdelay $0x1  }
0xb3: {  	v3 =	vperm.xlane v3, v2;
	v4 =	vadd.s32 v1, v4;
	_ =	sdelay $0x1  }
0xb4: {  	v3 =	vadd.s32 v1, v3;
	_ =	sdelay $0x2  }
0xb5: {  	[tilespmem:s5], [sflag:$0x1] =	stream.indirect_vreg.gather [hbm4b:s2+s3], $0x80, v4, vm0, $0xb8;
	[tilespmem:$0x11000] =	vst v63  }
0xb6: {  	_ = 	snop  }
0xb7: {  	[tilespmem:s6], [sflag:$0x1] =	stream.indirect_vreg.gather [hbm4b:s2+s3], $0x80, v3, vm0, $0xb8;
	[tilespmem:$0x11000] =	vst v63  }
0xb8: {  	v3 =	vld [tilespmem:s15+$0x20];
	_ =	sdelay $0x4  }
0xb9: {  	v62 =	vshll.u32 v3, $0x1  }
0xba: {  	v3 =	vand.u32 $0x7, v3;
	v4 =	vand.u32 $0xFFFFFFF0, v62  }
0xbb: {  	v3 =	vor.u32 v3, v4  }
0xbc: {  	v4 =	vperm.xlane v3, v0;
	_ =	sdelay $0x1  }
0xbd: {  	v3 =	vperm.xlane v3, v2;
	v4 =	vadd.s32 v1, v4;
	_ =	sdelay $0x1  }
0xbe: {  	v3 =	vadd.s32 v1, v3;
	_ =	sdelay $0x2  }
0xbf: {  	[tilespmem:s7], [sflag:$0x1] =	stream.indirect_vreg.gather [hbm4b:s2+s3], $0x80, v4, vm0, $0xb8;
	[tilespmem:$0x11000] =	vst v63  }
0xc0: {  	_ = 	snop  }
0xc1: {  	[tilespmem:s9], [sflag:$0x1] =	stream.indirect_vreg.gather [hbm4b:s2+s3], $0x80, v3, vm0, $0xb8;
	[tilespmem:$0x11000] =	vst v63  }
0xc2: {  	v3 =	vld [tilespmem:s15+$0x30];
	_ =	sdelay $0x4  }
0xc3: {  	v63 =	vshll.u32 v3, $0x1  }
0xc4: {  	v3 =	vand.u32 $0x7, v3;
	v4 =	vand.u32 $0xFFFFFFF0, v63  }
0xc5: {  	v3 =	vor.u32 v3, v4  }
0xc6: {  	v4 =	vperm.xlane v3, v0;
	_ =	sdelay $0x1  }
0xc7: {  	v3 =	vperm.xlane v3, v2;
	v4 =	vadd.s32 v1, v4;
	_ =	sdelay $0x1  }
0xc8: {  	v3 =	vadd.s32 v1, v3;
	_ =	sdelay $0x2  }
0xc9: {  	[tilespmem:s10], [sflag:$0x1] =	stream.indirect_vreg.gather [hbm4b:s2+s3], $0x80, v4, vm0, $0xb8;
	[tilespmem:$0x11000] =	vst v63  }
0xca: {  	_ = 	snop  }
0xcb: {  	[tilespmem:s11], [sflag:$0x1] =	stream.indirect_vreg.gather [hbm4b:s2+s3], $0x80, v3, vm0, $0xb8;
	[tilespmem:$0x11000] =	vst v63  }
0xcc: {  	s14 =	sadd.s32 $0x2, s14;
	_ =	swait.ge [sflag:s12], $0x8000  }
0xcd: {  	p0 =	sgt.u32 s14, $0x1D;
	[sflag:s12] =	ssyncset.done $0x0  }
.Ltmp4:
0xce: {  	s17 =	sadd.s32 $0xFFFFF000, s16;
	[sflag:s12] =	ssyncadd.s32 $0xFFFF8000;
	(pc) =	sbr.rel @p0 .LBB2_4-.Ltmp4, $4  }
0xcf: {  	[hbm4b:s17+s3] =	stream.linear.scatter [tilespmem:s8], [sflag:$0x2], $0x8000, $0x38;
	[tilespmem:$0x11000] =	vst v63  }
0xd0: {  	_ =	swait.ge [sflag:s13], $0x8000  }
0xd1: {  	[sflag:s13] =	ssyncset.done $0x0  }
0xd2: {  	[sflag:s13] =	ssyncadd.s32 $0xFFFF8000  }
0xd3: {  	v3 =	vld [tilespmem:s15+$0x40];
	_ =	sdelay $0x4  }
0xd4: {  	v4 =	vshll.u32 v3, $0x1  }
0xd5: {  	v3 =	vand.u32 $0x7, v3;
	v4 =	vand.u32 $0xFFFFFFF0, v4  }
0xd6: {  	v3 =	vor.u32 v3, v4  }
0xd7: {  	v4 =	vperm.xlane v3, v0;
	_ =	sdelay $0x1  }
0xd8: {  	v3 =	vperm.xlane v3, v2;
	v4 =	vadd.s32 v1, v4;
	_ =	sdelay $0x1  }
0xd9: {  	v3 =	vadd.s32 v1, v3;
	_ =	sdelay $0x2  }
0xda: {  	[tilespmem:s8], [sflag:$0x1] =	stream.indirect_vreg.gather [hbm4b:s2+s3], $0x80, v4, vm0, $0xb8;
	[tilespmem:$0x11000] =	vst v63  }
0xdb: {  	s17 =	simm.s32 $0x1800  }
0xdc: {  	[tilespmem:s17], [sflag:$0x1] =	stream.indirect_vreg.gather [hbm4b:s2+s3], $0x80, v3, vm0, $0xb8;
	[tilespmem:$0x11000] =	vst v63  }
0xdd: {  	v3 =	vld [tilespmem:s15+$0x50];
	_ =	sdelay $0x4  }
0xde: {  	v57 =	vshll.u32 v3, $0x1  }
0xdf: {  	v3 =	vand.u32 $0x7, v3;
	v4 =	vand.u32 $0xFFFFFFF0, v57  }
0xe0: {  	v3 =	vor.u32 v3, v4  }
0xe1: {  	v4 =	vperm.xlane v3, v0;
	_ =	sdelay $0x1  }
0xe2: {  	v3 =	vperm.xlane v3, v2;
	v4 =	vadd.s32 v1, v4;
	_ =	sdelay $0x1  }
0xe3: {  	v3 =	vadd.s32 v1, v3;
	_ =	sdelay $0x1  }
0xe4: {  	s17 =	simm.s32 $0x2000  }
0xe5: {  	[tilespmem:s17], [sflag:$0x1] =	stream.indirect_vreg.gather [hbm4b:s2+s3], $0x80, v4, vm0, $0xb8;
	[tilespmem:$0x11000] =	vst v63  }
0xe6: {  	s17 =	simm.s32 $0x2800  }
0xe7: {  	[tilespmem:s17], [sflag:$0x1] =	stream.indirect_vreg.gather [hbm4b:s2+s3], $0x80, v3, vm0, $0xb8;
	[tilespmem:$0x11000] =	vst v63  }
0xe8: {  	v3 =	vld [tilespmem:s15+$0x60];
	_ =	sdelay $0x4  }
0xe9: {  	v58 =	vshll.u32 v3, $0x1  }
0xea: {  	v3 =	vand.u32 $0x7, v3;
	v4 =	vand.u32 $0xFFFFFFF0, v58  }
0xeb: {  	v3 =	vor.u32 v3, v4  }
0xec: {  	v4 =	vperm.xlane v3, v0;
	_ =	sdelay $0x1  }
0xed: {  	v3 =	vperm.xlane v3, v2;
	v4 =	vadd.s32 v1, v4;
	_ =	sdelay $0x1  }
0xee: {  	v3 =	vadd.s32 v1, v3;
	_ =	sdelay $0x1  }
0xef: {  	s17 =	simm.s32 $0x3000  }
0xf0: {  	[tilespmem:s17], [sflag:$0x1] =	stream.indirect_vreg.gather [hbm4b:s2+s3], $0x80, v4, vm0, $0xb8;
	[tilespmem:$0x11000] =	vst v63  }
0xf1: {  	s17 =	simm.s32 $0x3800  }
0xf2: {  	[tilespmem:s17], [sflag:$0x1] =	stream.indirect_vreg.gather [hbm4b:s2+s3], $0x80, v3, vm0, $0xb8;
	[tilespmem:$0x11000] =	vst v63  }
0xf3: {  	v3 =	vld [tilespmem:s15+$0x70];
	_ =	sdelay $0x4  }
0xf4: {  	v59 =	vshll.u32 v3, $0x1  }
0xf5: {  	v3 =	vand.u32 $0x7, v3;
	v4 =	vand.u32 $0xFFFFFFF0, v59  }
0xf6: {  	v3 =	vor.u32 v3, v4  }
0xf7: {  	v4 =	vperm.xlane v3, v0;
	_ =	sdelay $0x1  }
0xf8: {  	v3 =	vperm.xlane v3, v2;
	v4 =	vadd.s32 v1, v4;
	_ =	sdelay $0x1  }
0xf9: {  	v3 =	vadd.s32 v1, v3;
	_ =	sdelay $0x1  }
0xfa: {  	s17 =	simm.s32 $0x4000  }
0xfb: {  	[tilespmem:s17], [sflag:$0x1] =	stream.indirect_vreg.gather [hbm4b:s2+s3], $0x80, v4, vm0, $0xb8;
	[tilespmem:$0x11000] =	vst v63  }
0xfc: {  	s17 =	simm.s32 $0x4800  }
0xfd: {  	[tilespmem:s17], [sflag:$0x1] =	stream.indirect_vreg.gather [hbm4b:s2+s3], $0x80, v3, vm0, $0xb8;
	[tilespmem:$0x11000] =	vst v63  }
0xfe: {  	v3 =	vld [tilespmem:s15+$0x80];
	_ =	sdelay $0x4  }
0xff: {  	v60 =	vshll.u32 v3, $0x1  }
0x100: {  	v3 =	vand.u32 $0x7, v3;
	v4 =	vand.u32 $0xFFFFFFF0, v60  }
0x101: {  	v3 =	vor.u32 v3, v4  }
0x102: {  	v4 =	vperm.xlane v3, v0;
	_ =	sdelay $0x1  }
0x103: {  	v3 =	vperm.xlane v3, v2;
	v4 =	vadd.s32 v1, v4;
	_ =	sdelay $0x1  }
0x104: {  	v3 =	vadd.s32 v1, v3;
	_ =	sdelay $0x1  }
0x105: {  	s17 =	simm.s32 $0x5000  }
0x106: {  	[tilespmem:s17], [sflag:$0x1] =	stream.indirect_vreg.gather [hbm4b:s2+s3], $0x80, v4, vm0, $0xb8;
	[tilespmem:$0x11000] =	vst v63  }
0x107: {  	s17 =	simm.s32 $0x5800  }
0x108: {  	[tilespmem:s17], [sflag:$0x1] =	stream.indirect_vreg.gather [hbm4b:s2+s3], $0x80, v3, vm0, $0xb8;
	[tilespmem:$0x11000] =	vst v63  }
0x109: {  	v3 =	vld [tilespmem:s15+$0x90];
	_ =	sdelay $0x4  }
0x10a: {  	v61 =	vshll.u32 v3, $0x1  }
0x10b: {  	v3 =	vand.u32 $0x7, v3;
	v4 =	vand.u32 $0xFFFFFFF0, v61  }
0x10c: {  	v3 =	vor.u32 v3, v4  }
0x10d: {  	v4 =	vperm.xlane v3, v0;
	_ =	sdelay $0x1  }
0x10e: {  	v3 =	vperm.xlane v3, v2;
	v4 =	vadd.s32 v1, v4;
	_ =	sdelay $0x1  }
0x10f: {  	v3 =	vadd.s32 v1, v3;
	_ =	sdelay $0x2  }
0x110: {  	[tilespmem:s18], [sflag:$0x1] =	stream.indirect_vreg.gather [hbm4b:s2+s3], $0x80, v4, vm0, $0xb8;
	[tilespmem:$0x11000] =	vst v63  }
0x111: {  	_ = 	snop  }
0x112: {  	[tilespmem:s19], [sflag:$0x1] =	stream.indirect_vreg.gather [hbm4b:s2+s3], $0x80, v3, vm0, $0xb8;
	[tilespmem:$0x11000] =	vst v63  }
0x113: {  	v3 =	vld [tilespmem:s15+$0xA0];
	_ =	sdelay $0x4  }
0x114: {  	v62 =	vshll.u32 v3, $0x1  }
0x115: {  	v3 =	vand.u32 $0x7, v3;
	v4 =	vand.u32 $0xFFFFFFF0, v62  }
0x116: {  	v3 =	vor.u32 v3, v4  }
0x117: {  	v4 =	vperm.xlane v3, v0;
	_ =	sdelay $0x1  }
0x118: {  	v3 =	vperm.xlane v3, v2;
	v4 =	vadd.s32 v1, v4;
	_ =	sdelay $0x1  }
0x119: {  	v3 =	vadd.s32 v1, v3;
	_ =	sdelay $0x2  }
0x11a: {  	[tilespmem:s20], [sflag:$0x1] =	stream.indirect_vreg.gather [hbm4b:s2+s3], $0x80, v4, vm0, $0xb8;
	[tilespmem:$0x11000] =	vst v63  }
0x11b: {  	_ = 	snop  }
0x11c: {  	[tilespmem:s21], [sflag:$0x1] =	stream.indirect_vreg.gather [hbm4b:s2+s3], $0x80, v3, vm0, $0xb8;
	[tilespmem:$0x11000] =	vst v63  }
0x11d: {  	v3 =	vld [tilespmem:s15+$0xB0];
	_ =	sdelay $0x4  }
0x11e: {  	v63 =	vshll.u32 v3, $0x1  }
0x11f: {  	v3 =	vand.u32 $0x7, v3;
	v4 =	vand.u32 $0xFFFFFFF0, v63  }
0x120: {  	v3 =	vor.u32 v3, v4  }
0x121: {  	v4 =	vperm.xlane v3, v0;
	_ =	sdelay $0x1  }
0x122: {  	v3 =	vperm.xlane v3, v2;
	v4 =	vadd.s32 v1, v4;
	_ =	sdelay $0x1  }
0x123: {  	v3 =	vadd.s32 v1, v3  }
.Ltmp5:
0x124: {  	_ = 	snop;
	(pc) =	sbr.rel .LBB2_4-.Ltmp5, $4  }
0x125: {  	_ = 	snop  }
0x126: {  	[tilespmem:s22], [sflag:$0x1] =	stream.indirect_vreg.gather [hbm4b:s2+s3], $0x80, v4, vm0, $0xb8;
	[tilespmem:$0x11000] =	vst v63  }
0x127: {  	_ = 	snop  }
0x128: {  	[tilespmem:s23], [sflag:$0x1] =	stream.indirect_vreg.gather [hbm4b:s2+s3], $0x80, v3, vm0, $0xb8;
	[tilespmem:$0x11000] =	vst v63  }
.LBB2_6:
0x129: {  	_ =	sfence.sel $0x180000  }
0x12a: {  	[bflag:$0x0] =	sbarrier.arrive $0xFFFF  }
0x12b: {  	_ =	strace $0x90000047  }
0x12c: {  	s0 =	stileid.u32;
	[bflag:$0x2] =	sbarrier.arrive $0xFFFF  }
0x12d: {  	p0 =	sne.s32 s0, $0x0;
	s0 =	rddreg [dreg:$0x3]  }
0x12e: {  	s0 =	sadd.s32 @!p0 $0x100000, s0  }
0x12f: {  	[sflag:s0] =	ssyncadd.tile.s32 @!p0 $0x1;
	_ =	shalt  }
.Lfunc_end2:
_tile_overlayer_lowered:
.L_overlay_start_2:
0x130: {  	(tag) =	ssettag $0x2  }
0x131: {  	s0 =	rddreg [dreg:$0x0];
	s2 =	stileid.u32  }
0x132: {  	s1 =	rddreg [dreg:$0x1];
	p0 =	sne.s32 s2, $0x0  }
0x133: {  	s3 =	rddreg [dreg:$0x2];
	[bflag:$0x3] =	sbarrier.arrive $0xFFFF;
	s2 =	simm.s32 @!p0 $0x1C03  }
0x134: {  	[timem:s3], [sflag:s2] =	dma.local @!p0 [hbm:s0], s1  }
0x135: {  	s0 =	simm.s32 @!p0 $0x3  }
0x136: {  	_ =	swait.ge @!p0 [sflag:s0], s1  }
0x137: {  	s1 =	ssub.s32 @!p0 $0x0, s1;
	[sflag:s0] =	ssyncset.done @!p0 $0x0  }
0x138: {  	[sflag:s0] =	ssyncadd.s32 @!p0 s1  }
0x139: {  	[bflag:$0x3] =	sbarrier.arrive $0xFFFF  }
0x13a: {  	_ =	shalt  }

</sc_bundles>
